<compile_context>
chip_gen: v7x
topology: tpu7x:2x2x1
jax: 0.10.2.dev20260603
libtpu: 0.0.44.dev20260713+nightly
codegen_flags: <defaults>
</compile_context>

<pallas_src>
import functools

import jax
import jax.numpy as jnp
from jax import lax
from jax.experimental import pallas as pl
from jax.experimental.pallas import tpu as pltpu
from jax.experimental.pallas import tpu_sc as plsc

N = 10000
E = 320000
H = 128
ED = 16

NC = 2
NS = 16
NW = NC * NS
CHUNK = 256
NCHUNK = E // CHUNK
KMAX = -(-NCHUNK // NW)
IDXROWS = CHUNK // 128
NPT = N // NS
SCHUNK = 128
SNCHUNK = E // SCHUNK
SKMAX = -(-SNCHUNK // NW)


def _gather_body(hA, hB, pos8, row2d, col2d, outA, outB, outR, outC,
                 idr, idc, bufA, bufB, bufR, bufC, sem, semw):
    c = lax.axis_index("c")
    s = lax.axis_index("s")
    wid = s * NC + c

    def body(k, _):
        g = k * NW + wid

        @pl.when(g < NCHUNK)
        def _():
            e0 = g * CHUNK
            r0 = g * IDXROWS
            pltpu.sync_copy(row2d.at[pl.ds(r0, IDXROWS)], idr)
            pltpu.sync_copy(col2d.at[pl.ds(r0, IDXROWS)], idc)
            descs = []
            for j in range(IDXROWS):
                sl = pl.ds(j * 128, 128)
                descs.append(pltpu.async_copy(hA.at[idr.at[j]], bufA.at[sl], sem))
                descs.append(pltpu.async_copy(hB.at[idc.at[j]], bufB.at[sl], sem))
                descs.append(pltpu.async_copy(pos8.at[idr.at[j]], bufR.at[sl], sem))
                descs.append(pltpu.async_copy(pos8.at[idc.at[j]], bufC.at[sl], sem))
            for d in descs:
                d.wait()
            wds = [
                pltpu.async_copy(bufA, outA.at[pl.ds(e0, CHUNK)], semw),
                pltpu.async_copy(bufB, outB.at[pl.ds(e0, CHUNK)], semw),
                pltpu.async_copy(bufR, outR.at[pl.ds(e0, CHUNK)], semw),
                pltpu.async_copy(bufC, outC.at[pl.ds(e0, CHUNK)], semw),
            ]
            for d in wds:
                d.wait()
        return 0

    lax.fori_loop(0, KMAX, body, 0)


def _scatter_body(m, t8, row2d, zM, z2, aggM, agg2,
                  idr, mbuf, tbuf, sharedM, shared2):
    c = lax.axis_index("c")
    s = lax.axis_index("s")
    wid = s * NC + c
    row0 = s * NPT

    pltpu.sync_copy(zM, sharedM.at[pl.ds(row0, NPT)])
    pltpu.sync_copy(z2, shared2.at[pl.ds(row0, NPT)])
    plsc.subcore_barrier()

    def body(k, _):
        g = k * NW + wid

        @pl.when(g < SNCHUNK)
        def _():
            e0 = g * SCHUNK
            pltpu.sync_copy(row2d.at[pl.ds(g, 1)], idr)
            pltpu.sync_copy(m.at[pl.ds(e0, SCHUNK)], mbuf)
            pltpu.sync_copy(t8.at[pl.ds(e0, SCHUNK)], tbuf)
            pltpu.sync_copy(mbuf, sharedM.at[idr.at[0]], add=True)
            pltpu.sync_copy(tbuf, shared2.at[idr.at[0]], add=True)
        return 0

    lax.fori_loop(0, SKMAX, body, 0)
    plsc.subcore_barrier()
    pltpu.sync_copy(sharedM.at[pl.ds(row0, NPT)], aggM.at[c, pl.ds(row0, NPT)])
    pltpu.sync_copy(shared2.at[pl.ds(row0, NPT)], agg2.at[c, pl.ds(row0, NPT)])


def _prep_tc(h_ref, wa_ref, wb_ref, ha_ref, hb_ref):
    h = h_ref[...]
    ha_ref[...] = jnp.dot(h, wa_ref[...], preferred_element_type=jnp.float32)
    hb_ref[...] = jnp.dot(h, wb_ref[...], preferred_element_type=jnp.float32)


def _edge_tc(a_ref, b_ref, pr_ref, pc_ref, ea_ref,
             w1c_ref, w1d_ref, eb1_ref, ew2_ref, eb2_ref,
             cw1_ref, cb1_ref, cw2_ref, cb2_ref,
             m_ref, t8_ref):
    rad = pr_ref[...] - pc_ref[...]
    pre = (a_ref[...] + b_ref[...]
           + jnp.dot(rad, w1c_ref[...], preferred_element_type=jnp.float32)
           + jnp.dot(ea_ref[...], w1d_ref[...], preferred_element_type=jnp.float32)
           + eb1_ref[...])
    u = pre * jax.nn.sigmoid(pre)
    msg = jnp.dot(u, ew2_ref[...], preferred_element_type=jnp.float32) + eb2_ref[...]
    m_ref[...] = msg
    cm = jnp.dot(msg, cw1_ref[...], preferred_element_type=jnp.float32) + cb1_ref[...]
    cm = cm * jax.nn.sigmoid(cm)
    cw = jnp.dot(cm, cw2_ref[...], preferred_element_type=jnp.float32) + cb2_ref[...]
    coord_w = cw[:, 0:1]
    lane = lax.broadcasted_iota(jnp.int32, rad.shape, 1)
    t8_ref[...] = rad * coord_w + jnp.where(lane == 3, 1.0, 0.0)


def _node_tc(h_ref, pos_ref, aggA_ref, aggB_ref, t2a_ref, t2b_ref,
             n1a_ref, n1b_ref, nb1_ref, nw2_ref, nb2_ref, g_ref, b_ref,
             hout_ref, pout_ref):
    h = h_ref[...]
    agg = aggA_ref[...] + aggB_ref[...]
    z = (jnp.dot(h, n1a_ref[...], preferred_element_type=jnp.float32)
         + jnp.dot(agg, n1b_ref[...], preferred_element_type=jnp.float32)
         + nb1_ref[...])
    u = z * jax.nn.sigmoid(z)
    h_upd = jnp.dot(u, nw2_ref[...], preferred_element_type=jnp.float32) + nb2_ref[...]
    hn = h + h_upd
    mean = jnp.mean(hn, axis=1, keepdims=True)
    d = hn - mean
    var = jnp.mean(d * d, axis=1, keepdims=True)
    hout_ref[...] = d * lax.rsqrt(var + 1e-5) * g_ref[...] + b_ref[...]

    t = t2a_ref[...] + t2b_ref[...]
    deg = jnp.maximum(t[:, 3:4], 1.0)
    pout_ref[...] = pos_ref[...] + t / deg


def kernel(h, pos, edge_index, edge_attr, ew1, eb1, ew2, eb2,
           nw1, nb1, nw2, nb2, cw1, cb1, cw2, cb2, ln_g, ln_b):
    f32 = jnp.float32
    row2d = edge_index[0].reshape(E // 128, 128)
    col2d = edge_index[1].reshape(E // 128, 128)
    pos8 = jnp.pad(pos, ((0, 0), (0, 5)))

    wa = ew1[:H]
    wb = ew1[H:2 * H]
    BN = 1000
    ha, hb = pl.pallas_call(
        _prep_tc,
        grid=(N // BN,),
        in_specs=[
            pl.BlockSpec((BN, H), lambda i: (i, 0)),
            pl.BlockSpec((H, H), lambda i: (0, 0)),
            pl.BlockSpec((H, H), lambda i: (0, 0)),
        ],
        out_specs=[
            pl.BlockSpec((BN, H), lambda i: (i, 0)),
            pl.BlockSpec((BN, H), lambda i: (i, 0)),
        ],
        out_shape=[jax.ShapeDtypeStruct((N, H), f32)] * 2,
    )(h, wa, wb)

    mesh = plsc.VectorSubcoreMesh(core_axis_name="c", subcore_axis_name="s")
    gath = pl.kernel(
        _gather_body,
        out_type=[
            jax.ShapeDtypeStruct((E, H), f32),
            jax.ShapeDtypeStruct((E, H), f32),
            jax.ShapeDtypeStruct((E, 8), f32),
            jax.ShapeDtypeStruct((E, 8), f32),
        ],
        mesh=mesh,
        scratch_types=[
            pltpu.VMEM((IDXROWS, 128), jnp.int32),
            pltpu.VMEM((IDXROWS, 128), jnp.int32),
            pltpu.VMEM((CHUNK, H), f32),
            pltpu.VMEM((CHUNK, H), f32),
            pltpu.VMEM((CHUNK, 8), f32),
            pltpu.VMEM((CHUNK, 8), f32),
            pltpu.SemaphoreType.DMA,
            pltpu.SemaphoreType.DMA,
        ],
        compiler_params=pltpu.CompilerParams(use_tc_tiling_on_sc=False),
    )
    a_g, b_g, pr_g, pc_g = gath(ha, hb, pos8, row2d, col2d)

    w1c = jnp.pad(ew1[2 * H:2 * H + 3], ((0, 5), (0, 0)))
    w1d = ew1[2 * H + 3:]
    BE = 512
    m_e, t8_e = pl.pallas_call(
        _edge_tc,
        grid=(E // BE,),
        in_specs=[
            pl.BlockSpec((BE, H), lambda i: (i, 0)),
            pl.BlockSpec((BE, H), lambda i: (i, 0)),
            pl.BlockSpec((BE, 8), lambda i: (i, 0)),
            pl.BlockSpec((BE, 8), lambda i: (i, 0)),
            pl.BlockSpec((BE, ED), lambda i: (i, 0)),
            pl.BlockSpec((8, H), lambda i: (0, 0)),
            pl.BlockSpec((ED, H), lambda i: (0, 0)),
            pl.BlockSpec((H,), lambda i: (0,)),
            pl.BlockSpec((H, H), lambda i: (0, 0)),
            pl.BlockSpec((H,), lambda i: (0,)),
            pl.BlockSpec((H, H), lambda i: (0, 0)),
            pl.BlockSpec((H,), lambda i: (0,)),
            pl.BlockSpec((H, 1), lambda i: (0, 0)),
            pl.BlockSpec((1,), lambda i: (0,)),
        ],
        out_specs=[
            pl.BlockSpec((BE, H), lambda i: (i, 0)),
            pl.BlockSpec((BE, 8), lambda i: (i, 0)),
        ],
        out_shape=[
            jax.ShapeDtypeStruct((E, H), f32),
            jax.ShapeDtypeStruct((E, 8), f32),
        ],
    )(a_g, b_g, pr_g, pc_g, edge_attr, w1c, w1d, eb1, ew2, eb2,
      cw1, cb1, cw2, cb2)

    zM = jnp.zeros((NPT, H), f32)
    z2 = jnp.zeros((NPT, 8), f32)
    scat = pl.kernel(
        _scatter_body,
        out_type=[
            jax.ShapeDtypeStruct((NC, N, H), f32),
            jax.ShapeDtypeStruct((NC, N, 8), f32),
        ],
        mesh=mesh,
        scratch_types=[
            pltpu.VMEM((1, 128), jnp.int32),
            pltpu.VMEM((SCHUNK, H), f32),
            pltpu.VMEM((SCHUNK, 8), f32),
            pltpu.VMEM_SHARED((N, H), f32),
            pltpu.VMEM_SHARED((N, 8), f32),
        ],
        compiler_params=pltpu.CompilerParams(use_tc_tiling_on_sc=False),
    )
    aggM, agg2 = scat(m_e, t8_e, row2d, zM, z2)

    n1a = nw1[:H]
    n1b = nw1[H:]
    BNo = 1000
    h_out, pos8_out = pl.pallas_call(
        _node_tc,
        grid=(N // BNo,),
        in_specs=[
            pl.BlockSpec((BNo, H), lambda i: (i, 0)),
            pl.BlockSpec((BNo, 8), lambda i: (i, 0)),
            pl.BlockSpec((BNo, H), lambda i: (i, 0)),
            pl.BlockSpec((BNo, H), lambda i: (i, 0)),
            pl.BlockSpec((BNo, 8), lambda i: (i, 0)),
            pl.BlockSpec((BNo, 8), lambda i: (i, 0)),
            pl.BlockSpec((H, H), lambda i: (0, 0)),
            pl.BlockSpec((H, H), lambda i: (0, 0)),
            pl.BlockSpec((H,), lambda i: (0,)),
            pl.BlockSpec((H, H), lambda i: (0, 0)),
            pl.BlockSpec((H,), lambda i: (0,)),
            pl.BlockSpec((H,), lambda i: (0,)),
            pl.BlockSpec((H,), lambda i: (0,)),
        ],
        out_specs=[
            pl.BlockSpec((BNo, H), lambda i: (i, 0)),
            pl.BlockSpec((BNo, 8), lambda i: (i, 0)),
        ],
        out_shape=[
            jax.ShapeDtypeStruct((N, H), f32),
            jax.ShapeDtypeStruct((N, 8), f32),
        ],
    )(h, pos8, aggM[0], aggM[1], agg2[0], agg2[1],
      n1a, n1b, nb1, nw2, nb2, ln_g, ln_b)

    return (h_out, pos8_out[:, :3])

# --- scband reference (transcript-rebuilt; emitter-appended) ---
"""Pipeline reference for scband-constrained-egnnlayer-61048665145614 (READ-ONLY COPY).

The authoritative reference and input builder live on the scoring server;
editing this copy changes nothing except your own understanding.
"""

import jax, jax.numpy as jnp
import numpy as np

N = 10000
E = 320000
H = 128
ED = 16


def setup_inputs(seed: int = 0) -> dict:
    key = jax.random.key(seed)
    ks = jax.random.split(key, 24)
    h = jax.random.normal(ks[0], (N, H), dtype=jnp.float32)
    pos = jax.random.normal(ks[1], (N, 3), dtype=jnp.float32)
    edge_index = jax.random.randint(ks[2], (2, E), 0, N, dtype=jnp.int32)
    edge_attr = jax.random.normal(ks[3], (E, ED), dtype=jnp.float32)
    s = 0.05
    # edge_mlp: Linear(2H+ED+3 -> H), SiLU, Linear(H -> H) (dropout is identity in eval)
    ew1 = jax.random.normal(ks[4], (2 * H + ED + 3, H), dtype=jnp.float32) * s
    eb1 = jnp.zeros((H,), dtype=jnp.float32)
    ew2 = jax.random.normal(ks[5], (H, H), dtype=jnp.float32) * s
    eb2 = jnp.zeros((H,), dtype=jnp.float32)
    # node_mlp: Linear(2H -> H), SiLU, Linear(H -> H)
    nw1 = jax.random.normal(ks[6], (2 * H, H), dtype=jnp.float32) * s
    nb1 = jnp.zeros((H,), dtype=jnp.float32)
    nw2 = jax.random.normal(ks[7], (H, H), dtype=jnp.float32) * s
    nb2 = jnp.zeros((H,), dtype=jnp.float32)
    # coord_mlp: Linear(H -> H), SiLU, Linear(H -> 1)
    cw1 = jax.random.normal(ks[8], (H, H), dtype=jnp.float32) * s
    cb1 = jnp.zeros((H,), dtype=jnp.float32)
    cw2 = jax.random.normal(ks[9], (H, 1), dtype=jnp.float32) * s
    cb2 = jnp.zeros((1,), dtype=jnp.float32)
    # layer_norm
    ln_g = jnp.ones((H,), dtype=jnp.float32)
    ln_b = jnp.zeros((H,), dtype=jnp.float32)
    return {"h": h, "pos": pos, "edge_index": edge_index, "edge_attr": edge_attr,
            "ew1": ew1, "eb1": eb1, "ew2": ew2, "eb2": eb2,
            "nw1": nw1, "nb1": nb1, "nw2": nw2, "nb2": nb2,
            "cw1": cw1, "cb1": cb1, "cw2": cw2, "cb2": cb2,
            "ln_g": ln_g, "ln_b": ln_b}


def reference(h, pos, edge_index, edge_attr, ew1, eb1, ew2, eb2, nw1, nb1, nw2, nb2, cw1, cb1, cw2, cb2, ln_g, ln_b):
    # ConstrainedEGNNLayer forward (eval mode; constraints=None -> empty constraint_losses)
    row = edge_index[0]
    col = edge_index[1]
    n = h.shape[0]
    radial = pos[row] - pos[col]                                   # gather [E,3]
    radial_norm = jnp.linalg.norm(radial, axis=-1, keepdims=True)
    radial_norm = jnp.clip(radial_norm, 1e-8, None)
    # edge message: concat(h_i, h_j, radial(3), edge_attr) -> 2H+3+ED == 2H+ED+3
    edge_input = jnp.concatenate([h[row], h[col], radial, edge_attr], axis=-1)
    m = jax.nn.silu(edge_input @ ew1 + eb1) @ ew2 + eb2            # [E,H]
    # coordinate update
    coord_w = jax.nn.silu(m @ cw1 + cb1) @ cw2 + cb2               # [E,1]
    trans = radial * coord_w                                       # [E,3]
    agg_trans = jax.ops.segment_sum(trans, row, num_segments=n)
    deg = jax.ops.segment_sum(jnp.ones((row.shape[0], 1), dtype=jnp.float32), row, num_segments=n)
    pos_new = pos + agg_trans / jnp.clip(deg, 1.0, None)
    # node update
    agg_msg = jax.ops.segment_sum(m, row, num_segments=n)          # [N,H]
    node_input = jnp.concatenate([h, agg_msg], axis=-1)
    h_upd = jax.nn.silu(node_input @ nw1 + nb1) @ nw2 + nb2
    h_new = h + h_upd                                              # residual
    # layer norm
    mean = jnp.mean(h_new, axis=-1, keepdims=True)
    var = jnp.var(h_new, axis=-1, keepdims=True)
    h_out = (h_new - mean) / jnp.sqrt(var + 1e-5) * ln_g + ln_b
    return (h_out, pos_new)

if __name__ == "__main__":
    import jax
    _d = setup_inputs()
    print(jax.jit(kernel)(*tuple(_d.values())))

</pallas_src>

<mosaic_0001>
#map = affine_map<(d0, d1) -> (0, 0)>
module attributes {stable_mosaic.version = 14 : i64} {
  func.func @_gather_body(%arg0: i32, %arg1: i32, %arg2: memref<10000x128xf32, #tpu.memory_space<hbm>>, %arg3: memref<10000x128xf32, #tpu.memory_space<hbm>>, %arg4: memref<10000x8xf32, #tpu.memory_space<hbm>>, %arg5: memref<2500x128xi32, #tpu.memory_space<hbm>>, %arg6: memref<2500x128xi32, #tpu.memory_space<hbm>>, %arg7: memref<320000x128xf32, #tpu.memory_space<hbm>>, %arg8: memref<320000x128xf32, #tpu.memory_space<hbm>>, %arg9: memref<320000x8xf32, #tpu.memory_space<hbm>>, %arg10: memref<320000x8xf32, #tpu.memory_space<hbm>>, %arg11: memref<2x128xi32, #tpu.memory_space<vmem>>, %arg12: memref<2x128xi32, #tpu.memory_space<vmem>>, %arg13: memref<256x128xf32, #tpu.memory_space<vmem>>, %arg14: memref<256x128xf32, #tpu.memory_space<vmem>>, %arg15: memref<256x8xf32, #tpu.memory_space<vmem>>, %arg16: memref<256x8xf32, #tpu.memory_space<vmem>>, %arg17: memref<!tpu.dma_semaphore, #tpu.memory_space<semaphore_mem>>, %arg18: memref<!tpu.dma_semaphore, #tpu.memory_space<semaphore_mem>>) attributes {dimension_semantics = [#tpu.dimension_semantics<core_parallel>, #tpu.dimension_semantics<subcore_parallel>], iteration_bounds = array<i64: 2, 16>, scalar_prefetch = 0 : i64, scratch_operands = 8 : i64, tpu.core_type = #tpu.core_type<sc_vector_subcore>, window_params = [{transform_indices = #map}, {transform_indices = #map}, {transform_indices = #map}, {transform_indices = #map}, {transform_indices = #map}, {transform_indices = #map}, {transform_indices = #map}, {transform_indices = #map}, {transform_indices = #map}]} {
    %mul3A = arith.constant 2 : i32
    %mul3A_0 = arith.muli %arg1, %mul3A : i32
    %add3A = arith.addi %mul3A_0, %arg0 : i32
    %scan3A = arith.constant 0 : i32
    %scan3A_1 = arith.constant 0 : i32
    %scan3A_2 = arith.constant 40 : i32
    %scan3A_3 = arith.addi %scan3A_1, %scan3A_2 : i32
    %scan3A_4 = arith.constant 1 : i32
    %scan3A_5 = scf.for %scan3A_7 = %scan3A_1 to %scan3A_3 step %scan3A_4 iter_args(%scan3A_8 = %scan3A) -> (i32)  : i32 {
      %mul3A_9 = arith.constant 32 : i32
      %mul3A_10 = arith.muli %scan3A_7, %mul3A_9 : i32
      %add3A_11 = arith.addi %mul3A_10, %add3A : i32
      %lt3A = arith.constant 1250 : i32
      %lt3A_12 = arith.cmpi slt, %add3A_11, %lt3A : i32
      %convert_element_type3A = arith.extui %lt3A_12 : i1 to i32
      %cond3A = arith.constant 0 : i32
      %cond3A_13 = arith.cmpi ne, %convert_element_type3A, %cond3A : i32
      scf.if %cond3A_13 {
        %mul3A_15 = arith.constant 256 : i32
        %mul3A_16 = arith.muli %add3A_11, %mul3A_15 : i32
        %mul3A_17 = arith.constant 2 : i32
        %mul3A_18 = arith.muli %add3A_11, %mul3A_17 : i32
        "tpu.region"() ({
          %run_scoped3A = tpu.sem_alloc : memref<!tpu.dma_semaphore, #tpu.memory_space<semaphore_mem>>
          %dma_start3A_209 = arith.constant 0 : i32
          %dma_start3A_210 = tpu.memref_slice %arg5[%mul3A_18, %dma_start3A_209] : memref<2500x128xi32, #tpu.memory_space<hbm>> -> memref<2x128xi32, #tpu.memory_space<hbm>>
          %dma_start3A_211 = arith.constant 0 : i32
          %dma_start3A_212 = tpu.memref_slice %arg5[%mul3A_18, %dma_start3A_211] : memref<2500x128xi32, #tpu.memory_space<hbm>> -> memref<2x128xi32, #tpu.memory_space<hbm>>
          tpu.enqueue_dma source(%dma_start3A_212 : memref<2x128xi32, #tpu.memory_space<hbm>>) target(%arg11 : memref<2x128xi32, #tpu.memory_space<vmem>>) target_semaphore(%run_scoped3A : memref<!tpu.dma_semaphore, #tpu.memory_space<semaphore_mem>>)
          %dma_wait3A_213 = arith.constant 0 : i32
          %dma_wait3A_214 = tpu.memref_slice %arg5[%mul3A_18, %dma_wait3A_213] : memref<2500x128xi32, #tpu.memory_space<hbm>> -> memref<2x128xi32, #tpu.memory_space<hbm>>
          %dma_wait3A_215 = arith.constant 0 : i32
          %dma_wait3A_216 = tpu.memref_slice %arg5[%mul3A_18, %dma_wait3A_215] : memref<2500x128xi32, #tpu.memory_space<hbm>> -> memref<2x128xi32, #tpu.memory_space<hbm>>
          tpu.wait_dma2 semaphore(%run_scoped3A : memref<!tpu.dma_semaphore, #tpu.memory_space<semaphore_mem>>) src(%dma_wait3A_216 : memref<2x128xi32, #tpu.memory_space<hbm>>) dst(%arg11 : memref<2x128xi32, #tpu.memory_space<vmem>>)
          tpu.yield
        }) : () -> ()
        "tpu.region"() ({
          %run_scoped3A = tpu.sem_alloc : memref<!tpu.dma_semaphore, #tpu.memory_space<semaphore_mem>>
          %dma_start3A_209 = arith.constant 0 : i32
          %dma_start3A_210 = tpu.memref_slice %arg6[%mul3A_18, %dma_start3A_209] : memref<2500x128xi32, #tpu.memory_space<hbm>> -> memref<2x128xi32, #tpu.memory_space<hbm>>
          %dma_start3A_211 = arith.constant 0 : i32
          %dma_start3A_212 = tpu.memref_slice %arg6[%mul3A_18, %dma_start3A_211] : memref<2500x128xi32, #tpu.memory_space<hbm>> -> memref<2x128xi32, #tpu.memory_space<hbm>>
          tpu.enqueue_dma source(%dma_start3A_212 : memref<2x128xi32, #tpu.memory_space<hbm>>) target(%arg12 : memref<2x128xi32, #tpu.memory_space<vmem>>) target_semaphore(%run_scoped3A : memref<!tpu.dma_semaphore, #tpu.memory_space<semaphore_mem>>)
          %dma_wait3A_213 = arith.constant 0 : i32
          %dma_wait3A_214 = tpu.memref_slice %arg6[%mul3A_18, %dma_wait3A_213] : memref<2500x128xi32, #tpu.memory_space<hbm>> -> memref<2x128xi32, #tpu.memory_space<hbm>>
          %dma_wait3A_215 = arith.constant 0 : i32
          %dma_wait3A_216 = tpu.memref_slice %arg6[%mul3A_18, %dma_wait3A_215] : memref<2500x128xi32, #tpu.memory_space<hbm>> -> memref<2x128xi32, #tpu.memory_space<hbm>>
          tpu.wait_dma2 semaphore(%run_scoped3A : memref<!tpu.dma_semaphore, #tpu.memory_space<semaphore_mem>>) src(%dma_wait3A_216 : memref<2x128xi32, #tpu.memory_space<hbm>>) dst(%arg12 : memref<2x128xi32, #tpu.memory_space<vmem>>)
          tpu.yield
        }) : () -> ()
        %dma_start3A = arith.constant 0 : i32
        %dma_start3A_19 = arith.constant 0 : i32
        %dma_start3A_20 = arith.constant 0 : i32
        %dma_start3A_21 = tpu.memref_slice %arg13[%dma_start3A_19, %dma_start3A_20] : memref<256x128xf32, #tpu.memory_space<vmem>> -> memref<128x128xf32, #tpu.memory_space<vmem>>
        %dma_start3A_22 = arith.constant 0 : i32
        %dma_start3A_23 = tpu.memref_slice %arg11[%dma_start3A, %dma_start3A_22] : memref<2x128xi32, #tpu.memory_space<vmem>> -> memref<1x128xi32, #tpu.memory_space<vmem>>
        %dma_start3A_24 = tpu.memref_squeeze %dma_start3A_23 : memref<1x128xi32, #tpu.memory_space<vmem>> -> memref<128xi32, #tpu.memory_space<vmem>>
        %dma_start3A_25 = arith.constant 0 : i32
        %dma_start3A_26 = arith.constant 0 : i32
        %dma_start3A_27 = tpu.memref_slice %arg2[%dma_start3A_25, %dma_start3A_26] : memref<10000x128xf32, #tpu.memory_space<hbm>> -> memref<10000x128xf32, #tpu.memory_space<hbm>>
        tpu.enqueue_indirect_dma source(%dma_start3A_27 : memref<10000x128xf32, #tpu.memory_space<hbm>>) target(%dma_start3A_21 : memref<128x128xf32, #tpu.memory_space<vmem>>) offsets(%dma_start3A_24 : memref<128xi32, #tpu.memory_space<vmem>>) semaphore(%arg17 : memref<!tpu.dma_semaphore, #tpu.memory_space<semaphore_mem>>)
        %dma_start3A_28 = arith.constant 0 : i32
        %dma_start3A_29 = arith.constant 0 : i32
        %dma_start3A_30 = arith.constant 0 : i32
        %dma_start3A_31 = tpu.memref_slice %arg14[%dma_start3A_29, %dma_start3A_30] : memref<256x128xf32, #tpu.memory_space<vmem>> -> memref<128x128xf32, #tpu.memory_space<vmem>>
        %dma_start3A_32 = arith.constant 0 : i32
        %dma_start3A_33 = tpu.memref_slice %arg12[%dma_start3A_28, %dma_start3A_32] : memref<2x128xi32, #tpu.memory_space<vmem>> -> memref<1x128xi32, #tpu.memory_space<vmem>>
        %dma_start3A_34 = tpu.memref_squeeze %dma_start3A_33 : memref<1x128xi32, #tpu.memory_space<vmem>> -> memref<128xi32, #tpu.memory_space<vmem>>
        %dma_start3A_35 = arith.constant 0 : i32
        %dma_start3A_36 = arith.constant 0 : i32
        %dma_start3A_37 = tpu.memref_slice %arg3[%dma_start3A_35, %dma_start3A_36] : memref<10000x128xf32, #tpu.memory_space<hbm>> -> memref<10000x128xf32, #tpu.memory_space<hbm>>
        tpu.enqueue_indirect_dma source(%dma_start3A_37 : memref<10000x128xf32, #tpu.memory_space<hbm>>) target(%dma_start3A_31 : memref<128x128xf32, #tpu.memory_space<vmem>>) offsets(%dma_start3A_34 : memref<128xi32, #tpu.memory_space<vmem>>) semaphore(%arg17 : memref<!tpu.dma_semaphore, #tpu.memory_space<semaphore_mem>>)
        %dma_start3A_38 = arith.constant 0 : i32
        %dma_start3A_39 = arith.constant 0 : i32
        %dma_start3A_40 = arith.constant 0 : i32
        %dma_start3A_41 = tpu.memref_slice %arg15[%dma_start3A_39, %dma_start3A_40] : memref<256x8xf32, #tpu.memory_space<vmem>> -> memref<128x8xf32, #tpu.memory_space<vmem>>
        %dma_start3A_42 = arith.constant 0 : i32
        %dma_start3A_43 = tpu.memref_slice %arg11[%dma_start3A_38, %dma_start3A_42] : memref<2x128xi32, #tpu.memory_space<vmem>> -> memref<1x128xi32, #tpu.memory_space<vmem>>
        %dma_start3A_44 = tpu.memref_squeeze %dma_start3A_43 : memref<1x128xi32, #tpu.memory_space<vmem>> -> memref<128xi32, #tpu.memory_space<vmem>>
        %dma_start3A_45 = arith.constant 0 : i32
        %dma_start3A_46 = arith.constant 0 : i32
        %dma_start3A_47 = tpu.memref_slice %arg4[%dma_start3A_45, %dma_start3A_46] : memref<10000x8xf32, #tpu.memory_space<hbm>> -> memref<10000x8xf32, #tpu.memory_space<hbm>>
        tpu.enqueue_indirect_dma source(%dma_start3A_47 : memref<10000x8xf32, #tpu.memory_space<hbm>>) target(%dma_start3A_41 : memref<128x8xf32, #tpu.memory_space<vmem>>) offsets(%dma_start3A_44 : memref<128xi32, #tpu.memory_space<vmem>>) semaphore(%arg17 : memref<!tpu.dma_semaphore, #tpu.memory_space<semaphore_mem>>)
        %dma_start3A_48 = arith.constant 0 : i32
        %dma_start3A_49 = arith.constant 0 : i32
        %dma_start3A_50 = arith.constant 0 : i32
        %dma_start3A_51 = tpu.memref_slice %arg16[%dma_start3A_49, %dma_start3A_50] : memref<256x8xf32, #tpu.memory_space<vmem>> -> memref<128x8xf32, #tpu.memory_space<vmem>>
        %dma_start3A_52 = arith.constant 0 : i32
        %dma_start3A_53 = tpu.memref_slice %arg12[%dma_start3A_48, %dma_start3A_52] : memref<2x128xi32, #tpu.memory_space<vmem>> -> memref<1x128xi32, #tpu.memory_space<vmem>>
        %dma_start3A_54 = tpu.memref_squeeze %dma_start3A_53 : memref<1x128xi32, #tpu.memory_space<vmem>> -> memref<128xi32, #tpu.memory_space<vmem>>
        %dma_start3A_55 = arith.constant 0 : i32
        %dma_start3A_56 = arith.constant 0 : i32
        %dma_start3A_57 = tpu.memref_slice %arg4[%dma_start3A_55, %dma_start3A_56] : memref<10000x8xf32, #tpu.memory_space<hbm>> -> memref<10000x8xf32, #tpu.memory_space<hbm>>
        tpu.enqueue_indirect_dma source(%dma_start3A_57 : memref<10000x8xf32, #tpu.memory_space<hbm>>) target(%dma_start3A_51 : memref<128x8xf32, #tpu.memory_space<vmem>>) offsets(%dma_start3A_54 : memref<128xi32, #tpu.memory_space<vmem>>) semaphore(%arg17 : memref<!tpu.dma_semaphore, #tpu.memory_space<semaphore_mem>>)
        %dma_start3A_58 = arith.constant 1 : i32
        %dma_start3A_59 = arith.constant 128 : i32
        %dma_start3A_60 = arith.constant 0 : i32
        %dma_start3A_61 = tpu.memref_slice %arg13[%dma_start3A_59, %dma_start3A_60] : memref<256x128xf32, #tpu.memory_space<vmem>> -> memref<128x128xf32, #tpu.memory_space<vmem>>
        %dma_start3A_62 = arith.constant 0 : i32
        %dma_start3A_63 = tpu.memref_slice %arg11[%dma_start3A_58, %dma_start3A_62] : memref<2x128xi32, #tpu.memory_space<vmem>> -> memref<1x128xi32, #tpu.memory_space<vmem>>
        %dma_start3A_64 = tpu.memref_squeeze %dma_start3A_63 : memref<1x128xi32, #tpu.memory_space<vmem>> -> memref<128xi32, #tpu.memory_space<vmem>>
        %dma_start3A_65 = arith.constant 0 : i32
        %dma_start3A_66 = arith.constant 0 : i32
        %dma_start3A_67 = tpu.memref_slice %arg2[%dma_start3A_65, %dma_start3A_66] : memref<10000x128xf32, #tpu.memory_space<hbm>> -> memref<10000x128xf32, #tpu.memory_space<hbm>>
        tpu.enqueue_indirect_dma source(%dma_start3A_67 : memref<10000x128xf32, #tpu.memory_space<hbm>>) target(%dma_start3A_61 : memref<128x128xf32, #tpu.memory_space<vmem>>) offsets(%dma_start3A_64 : memref<128xi32, #tpu.memory_space<vmem>>) semaphore(%arg17 : memref<!tpu.dma_semaphore, #tpu.memory_space<semaphore_mem>>)
        %dma_start3A_68 = arith.constant 1 : i32
        %dma_start3A_69 = arith.constant 128 : i32
        %dma_start3A_70 = arith.constant 0 : i32
        %dma_start3A_71 = tpu.memref_slice %arg14[%dma_start3A_69, %dma_start3A_70] : memref<256x128xf32, #tpu.memory_space<vmem>> -> memref<128x128xf32, #tpu.memory_space<vmem>>
        %dma_start3A_72 = arith.constant 0 : i32
        %dma_start3A_73 = tpu.memref_slice %arg12[%dma_start3A_68, %dma_start3A_72] : memref<2x128xi32, #tpu.memory_space<vmem>> -> memref<1x128xi32, #tpu.memory_space<vmem>>
        %dma_start3A_74 = tpu.memref_squeeze %dma_start3A_73 : memref<1x128xi32, #tpu.memory_space<vmem>> -> memref<128xi32, #tpu.memory_space<vmem>>
        %dma_start3A_75 = arith.constant 0 : i32
        %dma_start3A_76 = arith.constant 0 : i32
        %dma_start3A_77 = tpu.memref_slice %arg3[%dma_start3A_75, %dma_start3A_76] : memref<10000x128xf32, #tpu.memory_space<hbm>> -> memref<10000x128xf32, #tpu.memory_space<hbm>>
        tpu.enqueue_indirect_dma source(%dma_start3A_77 : memref<10000x128xf32, #tpu.memory_space<hbm>>) target(%dma_start3A_71 : memref<128x128xf32, #tpu.memory_space<vmem>>) offsets(%dma_start3A_74 : memref<128xi32, #tpu.memory_space<vmem>>) semaphore(%arg17 : memref<!tpu.dma_semaphore, #tpu.memory_space<semaphore_mem>>)
        %dma_start3A_78 = arith.constant 1 : i32
        %dma_start3A_79 = arith.constant 128 : i32
        %dma_start3A_80 = arith.constant 0 : i32
        %dma_start3A_81 = tpu.memref_slice %arg15[%dma_start3A_79, %dma_start3A_80] : memref<256x8xf32, #tpu.memory_space<vmem>> -> memref<128x8xf32, #tpu.memory_space<vmem>>
        %dma_start3A_82 = arith.constant 0 : i32
        %dma_start3A_83 = tpu.memref_slice %arg11[%dma_start3A_78, %dma_start3A_82] : memref<2x128xi32, #tpu.memory_space<vmem>> -> memref<1x128xi32, #tpu.memory_space<vmem>>
        %dma_start3A_84 = tpu.memref_squeeze %dma_start3A_83 : memref<1x128xi32, #tpu.memory_space<vmem>> -> memref<128xi32, #tpu.memory_space<vmem>>
        %dma_start3A_85 = arith.constant 0 : i32
        %dma_start3A_86 = arith.constant 0 : i32
        %dma_start3A_87 = tpu.memref_slice %arg4[%dma_start3A_85, %dma_start3A_86] : memref<10000x8xf32, #tpu.memory_space<hbm>> -> memref<10000x8xf32, #tpu.memory_space<hbm>>
        tpu.enqueue_indirect_dma source(%dma_start3A_87 : memref<10000x8xf32, #tpu.memory_space<hbm>>) target(%dma_start3A_81 : memref<128x8xf32, #tpu.memory_space<vmem>>) offsets(%dma_start3A_84 : memref<128xi32, #tpu.memory_space<vmem>>) semaphore(%arg17 : memref<!tpu.dma_semaphore, #tpu.memory_space<semaphore_mem>>)
        %dma_start3A_88 = arith.constant 1 : i32
        %dma_start3A_89 = arith.constant 128 : i32
        %dma_start3A_90 = arith.constant 0 : i32
        %dma_start3A_91 = tpu.memref_slice %arg16[%dma_start3A_89, %dma_start3A_90] : memref<256x8xf32, #tpu.memory_space<vmem>> -> memref<128x8xf32, #tpu.memory_space<vmem>>
        %dma_start3A_92 = arith.constant 0 : i32
        %dma_start3A_93 = tpu.memref_slice %arg12[%dma_start3A_88, %dma_start3A_92] : memref<2x128xi32, #tpu.memory_space<vmem>> -> memref<1x128xi32, #tpu.memory_space<vmem>>
        %dma_start3A_94 = tpu.memref_squeeze %dma_start3A_93 : memref<1x128xi32, #tpu.memory_space<vmem>> -> memref<128xi32, #tpu.memory_space<vmem>>
        %dma_start3A_95 = arith.constant 0 : i32
        %dma_start3A_96 = arith.constant 0 : i32
        %dma_start3A_97 = tpu.memref_slice %arg4[%dma_start3A_95, %dma_start3A_96] : memref<10000x8xf32, #tpu.memory_space<hbm>> -> memref<10000x8xf32, #tpu.memory_space<hbm>>
        tpu.enqueue_indirect_dma source(%dma_start3A_97 : memref<10000x8xf32, #tpu.memory_space<hbm>>) target(%dma_start3A_91 : memref<128x8xf32, #tpu.memory_space<vmem>>) offsets(%dma_start3A_94 : memref<128xi32, #tpu.memory_space<vmem>>) semaphore(%arg17 : memref<!tpu.dma_semaphore, #tpu.memory_space<semaphore_mem>>)
        %dma_wait3A = arith.constant 0 : i32
        %dma_wait3A_98 = arith.constant 0 : i32
        %dma_wait3A_99 = arith.constant 0 : i32
        %dma_wait3A_100 = tpu.memref_slice %arg13[%dma_wait3A_98, %dma_wait3A_99] : memref<256x128xf32, #tpu.memory_space<vmem>> -> memref<128x128xf32, #tpu.memory_space<vmem>>
        %dma_wait3A_101 = arith.constant 0 : i32
        %dma_wait3A_102 = tpu.memref_slice %arg11[%dma_wait3A, %dma_wait3A_101] : memref<2x128xi32, #tpu.memory_space<vmem>> -> memref<1x128xi32, #tpu.memory_space<vmem>>
        %dma_wait3A_103 = tpu.memref_squeeze %dma_wait3A_102 : memref<1x128xi32, #tpu.memory_space<vmem>> -> memref<128xi32, #tpu.memory_space<vmem>>
        %dma_wait3A_104 = arith.constant 0 : i32
        %dma_wait3A_105 = arith.constant 0 : i32
        %dma_wait3A_106 = tpu.memref_slice %arg2[%dma_wait3A_104, %dma_wait3A_105] : memref<10000x128xf32, #tpu.memory_space<hbm>> -> memref<10000x128xf32, #tpu.memory_space<hbm>>
        tpu.wait_indirect_dma semaphore(%arg17 : memref<!tpu.dma_semaphore, #tpu.memory_space<semaphore_mem>>) src(%dma_wait3A_106 : memref<10000x128xf32, #tpu.memory_space<hbm>>) dst(%dma_wait3A_100 : memref<128x128xf32, #tpu.memory_space<vmem>>)
        %dma_wait3A_107 = arith.constant 0 : i32
        %dma_wait3A_108 = arith.constant 0 : i32
        %dma_wait3A_109 = arith.constant 0 : i32
        %dma_wait3A_110 = tpu.memref_slice %arg14[%dma_wait3A_108, %dma_wait3A_109] : memref<256x128xf32, #tpu.memory_space<vmem>> -> memref<128x128xf32, #tpu.memory_space<vmem>>
        %dma_wait3A_111 = arith.constant 0 : i32
        %dma_wait3A_112 = tpu.memref_slice %arg12[%dma_wait3A_107, %dma_wait3A_111] : memref<2x128xi32, #tpu.memory_space<vmem>> -> memref<1x128xi32, #tpu.memory_space<vmem>>
        %dma_wait3A_113 = tpu.memref_squeeze %dma_wait3A_112 : memref<1x128xi32, #tpu.memory_space<vmem>> -> memref<128xi32, #tpu.memory_space<vmem>>
        %dma_wait3A_114 = arith.constant 0 : i32
        %dma_wait3A_115 = arith.constant 0 : i32
        %dma_wait3A_116 = tpu.memref_slice %arg3[%dma_wait3A_114, %dma_wait3A_115] : memref<10000x128xf32, #tpu.memory_space<hbm>> -> memref<10000x128xf32, #tpu.memory_space<hbm>>
        tpu.wait_indirect_dma semaphore(%arg17 : memref<!tpu.dma_semaphore, #tpu.memory_space<semaphore_mem>>) src(%dma_wait3A_116 : memref<10000x128xf32, #tpu.memory_space<hbm>>) dst(%dma_wait3A_110 : memref<128x128xf32, #tpu.memory_space<vmem>>)
        %dma_wait3A_117 = arith.constant 0 : i32
        %dma_wait3A_118 = arith.constant 0 : i32
        %dma_wait3A_119 = arith.constant 0 : i32
        %dma_wait3A_120 = tpu.memref_slice %arg15[%dma_wait3A_118, %dma_wait3A_119] : memref<256x8xf32, #tpu.memory_space<vmem>> -> memref<128x8xf32, #tpu.memory_space<vmem>>
        %dma_wait3A_121 = arith.constant 0 : i32
        %dma_wait3A_122 = tpu.memref_slice %arg11[%dma_wait3A_117, %dma_wait3A_121] : memref<2x128xi32, #tpu.memory_space<vmem>> -> memref<1x128xi32, #tpu.memory_space<vmem>>
        %dma_wait3A_123 = tpu.memref_squeeze %dma_wait3A_122 : memref<1x128xi32, #tpu.memory_space<vmem>> -> memref<128xi32, #tpu.memory_space<vmem>>
        %dma_wait3A_124 = arith.constant 0 : i32
        %dma_wait3A_125 = arith.constant 0 : i32
        %dma_wait3A_126 = tpu.memref_slice %arg4[%dma_wait3A_124, %dma_wait3A_125] : memref<10000x8xf32, #tpu.memory_space<hbm>> -> memref<10000x8xf32, #tpu.memory_space<hbm>>
        tpu.wait_indirect_dma semaphore(%arg17 : memref<!tpu.dma_semaphore, #tpu.memory_space<semaphore_mem>>) src(%dma_wait3A_126 : memref<10000x8xf32, #tpu.memory_space<hbm>>) dst(%dma_wait3A_120 : memref<128x8xf32, #tpu.memory_space<vmem>>)
        %dma_wait3A_127 = arith.constant 0 : i32
        %dma_wait3A_128 = arith.constant 0 : i32
        %dma_wait3A_129 = arith.constant 0 : i32
        %dma_wait3A_130 = tpu.memref_slice %arg16[%dma_wait3A_128, %dma_wait3A_129] : memref<256x8xf32, #tpu.memory_space<vmem>> -> memref<128x8xf32, #tpu.memory_space<vmem>>
        %dma_wait3A_131 = arith.constant 0 : i32
        %dma_wait3A_132 = tpu.memref_slice %arg12[%dma_wait3A_127, %dma_wait3A_131] : memref<2x128xi32, #tpu.memory_space<vmem>> -> memref<1x128xi32, #tpu.memory_space<vmem>>
        %dma_wait3A_133 = tpu.memref_squeeze %dma_wait3A_132 : memref<1x128xi32, #tpu.memory_space<vmem>> -> memref<128xi32, #tpu.memory_space<vmem>>
        %dma_wait3A_134 = arith.constant 0 : i32
        %dma_wait3A_135 = arith.constant 0 : i32
        %dma_wait3A_136 = tpu.memref_slice %arg4[%dma_wait3A_134, %dma_wait3A_135] : memref<10000x8xf32, #tpu.memory_space<hbm>> -> memref<10000x8xf32, #tpu.memory_space<hbm>>
        tpu.wait_indirect_dma semaphore(%arg17 : memref<!tpu.dma_semaphore, #tpu.memory_space<semaphore_mem>>) src(%dma_wait3A_136 : memref<10000x8xf32, #tpu.memory_space<hbm>>) dst(%dma_wait3A_130 : memref<128x8xf32, #tpu.memory_space<vmem>>)
        %dma_wait3A_137 = arith.constant 1 : i32
        %dma_wait3A_138 = arith.constant 128 : i32
        %dma_wait3A_139 = arith.constant 0 : i32
        %dma_wait3A_140 = tpu.memref_slice %arg13[%dma_wait3A_138, %dma_wait3A_139] : memref<256x128xf32, #tpu.memory_space<vmem>> -> memref<128x128xf32, #tpu.memory_space<vmem>>
        %dma_wait3A_141 = arith.constant 0 : i32
        %dma_wait3A_142 = tpu.memref_slice %arg11[%dma_wait3A_137, %dma_wait3A_141] : memref<2x128xi32, #tpu.memory_space<vmem>> -> memref<1x128xi32, #tpu.memory_space<vmem>>
        %dma_wait3A_143 = tpu.memref_squeeze %dma_wait3A_142 : memref<1x128xi32, #tpu.memory_space<vmem>> -> memref<128xi32, #tpu.memory_space<vmem>>
        %dma_wait3A_144 = arith.constant 0 : i32
        %dma_wait3A_145 = arith.constant 0 : i32
        %dma_wait3A_146 = tpu.memref_slice %arg2[%dma_wait3A_144, %dma_wait3A_145] : memref<10000x128xf32, #tpu.memory_space<hbm>> -> memref<10000x128xf32, #tpu.memory_space<hbm>>
        tpu.wait_indirect_dma semaphore(%arg17 : memref<!tpu.dma_semaphore, #tpu.memory_space<semaphore_mem>>) src(%dma_wait3A_146 : memref<10000x128xf32, #tpu.memory_space<hbm>>) dst(%dma_wait3A_140 : memref<128x128xf32, #tpu.memory_space<vmem>>)
        %dma_wait3A_147 = arith.constant 1 : i32
        %dma_wait3A_148 = arith.constant 128 : i32
        %dma_wait3A_149 = arith.constant 0 : i32
        %dma_wait3A_150 = tpu.memref_slice %arg14[%dma_wait3A_148, %dma_wait3A_149] : memref<256x128xf32, #tpu.memory_space<vmem>> -> memref<128x128xf32, #tpu.memory_space<vmem>>
        %dma_wait3A_151 = arith.constant 0 : i32
        %dma_wait3A_152 = tpu.memref_slice %arg12[%dma_wait3A_147, %dma_wait3A_151] : memref<2x128xi32, #tpu.memory_space<vmem>> -> memref<1x128xi32, #tpu.memory_space<vmem>>
        %dma_wait3A_153 = tpu.memref_squeeze %dma_wait3A_152 : memref<1x128xi32, #tpu.memory_space<vmem>> -> memref<128xi32, #tpu.memory_space<vmem>>
        %dma_wait3A_154 = arith.constant 0 : i32
        %dma_wait3A_155 = arith.constant 0 : i32
        %dma_wait3A_156 = tpu.memref_slice %arg3[%dma_wait3A_154, %dma_wait3A_155] : memref<10000x128xf32, #tpu.memory_space<hbm>> -> memref<10000x128xf32, #tpu.memory_space<hbm>>
        tpu.wait_indirect_dma semaphore(%arg17 : memref<!tpu.dma_semaphore, #tpu.memory_space<semaphore_mem>>) src(%dma_wait3A_156 : memref<10000x128xf32, #tpu.memory_space<hbm>>) dst(%dma_wait3A_150 : memref<128x128xf32, #tpu.memory_space<vmem>>)
        %dma_wait3A_157 = arith.constant 1 : i32
        %dma_wait3A_158 = arith.constant 128 : i32
        %dma_wait3A_159 = arith.constant 0 : i32
        %dma_wait3A_160 = tpu.memref_slice %arg15[%dma_wait3A_158, %dma_wait3A_159] : memref<256x8xf32, #tpu.memory_space<vmem>> -> memref<128x8xf32, #tpu.memory_space<vmem>>
        %dma_wait3A_161 = arith.constant 0 : i32
        %dma_wait3A_162 = tpu.memref_slice %arg11[%dma_wait3A_157, %dma_wait3A_161] : memref<2x128xi32, #tpu.memory_space<vmem>> -> memref<1x128xi32, #tpu.memory_space<vmem>>
        %dma_wait3A_163 = tpu.memref_squeeze %dma_wait3A_162 : memref<1x128xi32, #tpu.memory_space<vmem>> -> memref<128xi32, #tpu.memory_space<vmem>>
        %dma_wait3A_164 = arith.constant 0 : i32
        %dma_wait3A_165 = arith.constant 0 : i32
        %dma_wait3A_166 = tpu.memref_slice %arg4[%dma_wait3A_164, %dma_wait3A_165] : memref<10000x8xf32, #tpu.memory_space<hbm>> -> memref<10000x8xf32, #tpu.memory_space<hbm>>
        tpu.wait_indirect_dma semaphore(%arg17 : memref<!tpu.dma_semaphore, #tpu.memory_space<semaphore_mem>>) src(%dma_wait3A_166 : memref<10000x8xf32, #tpu.memory_space<hbm>>) dst(%dma_wait3A_160 : memref<128x8xf32, #tpu.memory_space<vmem>>)
        %dma_wait3A_167 = arith.constant 1 : i32
        %dma_wait3A_168 = arith.constant 128 : i32
        %dma_wait3A_169 = arith.constant 0 : i32
        %dma_wait3A_170 = tpu.memref_slice %arg16[%dma_wait3A_168, %dma_wait3A_169] : memref<256x8xf32, #tpu.memory_space<vmem>> -> memref<128x8xf32, #tpu.memory_space<vmem>>
        %dma_wait3A_171 = arith.constant 0 : i32
        %dma_wait3A_172 = tpu.memref_slice %arg12[%dma_wait3A_167, %dma_wait3A_171] : memref<2x128xi32, #tpu.memory_space<vmem>> -> memref<1x128xi32, #tpu.memory_space<vmem>>
        %dma_wait3A_173 = tpu.memref_squeeze %dma_wait3A_172 : memref<1x128xi32, #tpu.memory_space<vmem>> -> memref<128xi32, #tpu.memory_space<vmem>>
        %dma_wait3A_174 = arith.constant 0 : i32
        %dma_wait3A_175 = arith.constant 0 : i32
        %dma_wait3A_176 = tpu.memref_slice %arg4[%dma_wait3A_174, %dma_wait3A_175] : memref<10000x8xf32, #tpu.memory_space<hbm>> -> memref<10000x8xf32, #tpu.memory_space<hbm>>
        tpu.wait_indirect_dma semaphore(%arg17 : memref<!tpu.dma_semaphore, #tpu.memory_space<semaphore_mem>>) src(%dma_wait3A_176 : memref<10000x8xf32, #tpu.memory_space<hbm>>) dst(%dma_wait3A_170 : memref<128x8xf32, #tpu.memory_space<vmem>>)
        %dma_start3A_177 = arith.constant 0 : i32
        %dma_start3A_178 = tpu.memref_slice %arg7[%mul3A_16, %dma_start3A_177] : memref<320000x128xf32, #tpu.memory_space<hbm>> -> memref<256x128xf32, #tpu.memory_space<hbm>>
        %dma_start3A_179 = arith.constant 0 : i32
        %dma_start3A_180 = tpu.memref_slice %arg7[%mul3A_16, %dma_start3A_179] : memref<320000x128xf32, #tpu.memory_space<hbm>> -> memref<256x128xf32, #tpu.memory_space<hbm>>
        tpu.enqueue_dma source(%arg13 : memref<256x128xf32, #tpu.memory_space<vmem>>) target(%dma_start3A_180 : memref<256x128xf32, #tpu.memory_space<hbm>>) target_semaphore(%arg18 : memref<!tpu.dma_semaphore, #tpu.memory_space<semaphore_mem>>)
        %dma_start3A_181 = arith.constant 0 : i32
        %dma_start3A_182 = tpu.memref_slice %arg8[%mul3A_16, %dma_start3A_181] : memref<320000x128xf32, #tpu.memory_space<hbm>> -> memref<256x128xf32, #tpu.memory_space<hbm>>
        %dma_start3A_183 = arith.constant 0 : i32
        %dma_start3A_184 = tpu.memref_slice %arg8[%mul3A_16, %dma_start3A_183] : memref<320000x128xf32, #tpu.memory_space<hbm>> -> memref<256x128xf32, #tpu.memory_space<hbm>>
        tpu.enqueue_dma source(%arg14 : memref<256x128xf32, #tpu.memory_space<vmem>>) target(%dma_start3A_184 : memref<256x128xf32, #tpu.memory_space<hbm>>) target_semaphore(%arg18 : memref<!tpu.dma_semaphore, #tpu.memory_space<semaphore_mem>>)
        %dma_start3A_185 = arith.constant 0 : i32
        %dma_start3A_186 = tpu.memref_slice %arg9[%mul3A_16, %dma_start3A_185] : memref<320000x8xf32, #tpu.memory_space<hbm>> -> memref<256x8xf32, #tpu.memory_space<hbm>>
        %dma_start3A_187 = arith.constant 0 : i32
        %dma_start3A_188 = tpu.memref_slice %arg9[%mul3A_16, %dma_start3A_187] : memref<320000x8xf32, #tpu.memory_space<hbm>> -> memref<256x8xf32, #tpu.memory_space<hbm>>
        tpu.enqueue_dma source(%arg15 : memref<256x8xf32, #tpu.memory_space<vmem>>) target(%dma_start3A_188 : memref<256x8xf32, #tpu.memory_space<hbm>>) target_semaphore(%arg18 : memref<!tpu.dma_semaphore, #tpu.memory_space<semaphore_mem>>)
        %dma_start3A_189 = arith.constant 0 : i32
        %dma_start3A_190 = tpu.memref_slice %arg10[%mul3A_16, %dma_start3A_189] : memref<320000x8xf32, #tpu.memory_space<hbm>> -> memref<256x8xf32, #tpu.memory_space<hbm>>
        %dma_start3A_191 = arith.constant 0 : i32
        %dma_start3A_192 = tpu.memref_slice %arg10[%mul3A_16, %dma_start3A_191] : memref<320000x8xf32, #tpu.memory_space<hbm>> -> memref<256x8xf32, #tpu.memory_space<hbm>>
        tpu.enqueue_dma source(%arg16 : memref<256x8xf32, #tpu.memory_space<vmem>>) target(%dma_start3A_192 : memref<256x8xf32, #tpu.memory_space<hbm>>) target_semaphore(%arg18 : memref<!tpu.dma_semaphore, #tpu.memory_space<semaphore_mem>>)
        %dma_wait3A_193 = arith.constant 0 : i32
        %dma_wait3A_194 = tpu.memref_slice %arg7[%mul3A_16, %dma_wait3A_193] : memref<320000x128xf32, #tpu.memory_space<hbm>> -> memref<256x128xf32, #tpu.memory_space<hbm>>
        %dma_wait3A_195 = arith.constant 0 : i32
        %dma_wait3A_196 = tpu.memref_slice %arg7[%mul3A_16, %dma_wait3A_195] : memref<320000x128xf32, #tpu.memory_space<hbm>> -> memref<256x128xf32, #tpu.memory_space<hbm>>
        tpu.wait_dma2 semaphore(%arg18 : memref<!tpu.dma_semaphore, #tpu.memory_space<semaphore_mem>>) src(%arg13 : memref<256x128xf32, #tpu.memory_space<vmem>>) dst(%dma_wait3A_196 : memref<256x128xf32, #tpu.memory_space<hbm>>)
        %dma_wait3A_197 = arith.constant 0 : i32
        %dma_wait3A_198 = tpu.memref_slice %arg8[%mul3A_16, %dma_wait3A_197] : memref<320000x128xf32, #tpu.memory_space<hbm>> -> memref<256x128xf32, #tpu.memory_space<hbm>>
        %dma_wait3A_199 = arith.constant 0 : i32
        %dma_wait3A_200 = tpu.memref_slice %arg8[%mul3A_16, %dma_wait3A_199] : memref<320000x128xf32, #tpu.memory_space<hbm>> -> memref<256x128xf32, #tpu.memory_space<hbm>>
        tpu.wait_dma2 semaphore(%arg18 : memref<!tpu.dma_semaphore, #tpu.memory_space<semaphore_mem>>) src(%arg14 : memref<256x128xf32, #tpu.memory_space<vmem>>) dst(%dma_wait3A_200 : memref<256x128xf32, #tpu.memory_space<hbm>>)
        %dma_wait3A_201 = arith.constant 0 : i32
        %dma_wait3A_202 = tpu.memref_slice %arg9[%mul3A_16, %dma_wait3A_201] : memref<320000x8xf32, #tpu.memory_space<hbm>> -> memref<256x8xf32, #tpu.memory_space<hbm>>
        %dma_wait3A_203 = arith.constant 0 : i32
        %dma_wait3A_204 = tpu.memref_slice %arg9[%mul3A_16, %dma_wait3A_203] : memref<320000x8xf32, #tpu.memory_space<hbm>> -> memref<256x8xf32, #tpu.memory_space<hbm>>
        tpu.wait_dma2 semaphore(%arg18 : memref<!tpu.dma_semaphore, #tpu.memory_space<semaphore_mem>>) src(%arg15 : memref<256x8xf32, #tpu.memory_space<vmem>>) dst(%dma_wait3A_204 : memref<256x8xf32, #tpu.memory_space<hbm>>)
        %dma_wait3A_205 = arith.constant 0 : i32
        %dma_wait3A_206 = tpu.memref_slice %arg10[%mul3A_16, %dma_wait3A_205] : memref<320000x8xf32, #tpu.memory_space<hbm>> -> memref<256x8xf32, #tpu.memory_space<hbm>>
        %dma_wait3A_207 = arith.constant 0 : i32
        %dma_wait3A_208 = tpu.memref_slice %arg10[%mul3A_16, %dma_wait3A_207] : memref<320000x8xf32, #tpu.memory_space<hbm>> -> memref<256x8xf32, #tpu.memory_space<hbm>>
        tpu.wait_dma2 semaphore(%arg18 : memref<!tpu.dma_semaphore, #tpu.memory_space<semaphore_mem>>) src(%arg16 : memref<256x8xf32, #tpu.memory_space<vmem>>) dst(%dma_wait3A_208 : memref<256x8xf32, #tpu.memory_space<hbm>>)
      } else {
      }
      %scan3A_14 = arith.constant 0 : i32
      scf.yield %scan3A_14 : i32
    }
    %scan3A_6 = arith.constant 40 : i32
    return
  }
}

#map = affine_map<(d0, d1) -> (0, 0)>
#map1 = affine_map<(d0, d1) -> (0, 0, 0)>
module attributes {stable_mosaic.version = 14 : i64} {
  func.func @_scatter_body(%arg0: i32, %arg1: i32, %arg2: memref<320000x128xf32, #tpu.memory_space<hbm>>, %arg3: memref<320000x8xf32, #tpu.memory_space<hbm>>, %arg4: memref<2500x128xi32, #tpu.memory_space<hbm>>, %arg5: memref<625x128xf32, #tpu.memory_space<hbm>>, %arg6: memref<625x8xf32, #tpu.memory_space<hbm>>, %arg7: memref<2x10000x128xf32, #tpu.memory_space<hbm>>, %arg8: memref<2x10000x8xf32, #tpu.memory_space<hbm>>, %arg9: memref<1x128xi32, #tpu.memory_space<vmem>>, %arg10: memref<128x128xf32, #tpu.memory_space<vmem>>, %arg11: memref<128x8xf32, #tpu.memory_space<vmem>>, %arg12: memref<10000x128xf32, #tpu.memory_space<vmem_shared>>, %arg13: memref<10000x8xf32, #tpu.memory_space<vmem_shared>>) attributes {dimension_semantics = [#tpu.dimension_semantics<core_parallel>, #tpu.dimension_semantics<subcore_parallel>], iteration_bounds = array<i64: 2, 16>, scalar_prefetch = 0 : i64, scratch_operands = 5 : i64, tpu.core_type = #tpu.core_type<sc_vector_subcore>, window_params = [{transform_indices = #map}, {transform_indices = #map}, {transform_indices = #map}, {transform_indices = #map}, {transform_indices = #map}, {transform_indices = #map1}, {transform_indices = #map1}]} {
    %mul3A = arith.constant 2 : i32
    %mul3A_0 = arith.muli %arg1, %mul3A : i32
    %add3A = arith.addi %mul3A_0, %arg0 : i32
    %mul3A_1 = arith.constant 625 : i32
    %mul3A_2 = arith.muli %arg1, %mul3A_1 : i32
    "tpu.region"() ({
      %run_scoped3A = tpu.sem_alloc : memref<!tpu.dma_semaphore, #tpu.memory_space<semaphore_mem>>
      %dma_start3A = arith.constant 0 : i32
      %dma_start3A_10 = tpu.memref_slice %arg12[%mul3A_2, %dma_start3A] : memref<10000x128xf32, #tpu.memory_space<vmem_shared>> -> memref<625x128xf32, #tpu.memory_space<vmem_shared>>
      tpu.enqueue_dma source(%arg5 : memref<625x128xf32, #tpu.memory_space<hbm>>) target(%dma_start3A_10 : memref<625x128xf32, #tpu.memory_space<vmem_shared>>) target_semaphore(%run_scoped3A : memref<!tpu.dma_semaphore, #tpu.memory_space<semaphore_mem>>)
      %dma_wait3A = arith.constant 0 : i32
      %dma_wait3A_11 = tpu.memref_slice %arg12[%mul3A_2, %dma_wait3A] : memref<10000x128xf32, #tpu.memory_space<vmem_shared>> -> memref<625x128xf32, #tpu.memory_space<vmem_shared>>
      tpu.wait_dma2 semaphore(%run_scoped3A : memref<!tpu.dma_semaphore, #tpu.memory_space<semaphore_mem>>) src(%arg5 : memref<625x128xf32, #tpu.memory_space<hbm>>) dst(%dma_wait3A_11 : memref<625x128xf32, #tpu.memory_space<vmem_shared>>)
      tpu.yield
    }) : () -> ()
    "tpu.region"() ({
      %run_scoped3A = tpu.sem_alloc : memref<!tpu.dma_semaphore, #tpu.memory_space<semaphore_mem>>
      %dma_start3A = arith.constant 0 : i32
      %dma_start3A_10 = tpu.memref_slice %arg13[%mul3A_2, %dma_start3A] : memref<10000x8xf32, #tpu.memory_space<vmem_shared>> -> memref<625x8xf32, #tpu.memory_space<vmem_shared>>
      tpu.enqueue_dma source(%arg6 : memref<625x8xf32, #tpu.memory_space<hbm>>) target(%dma_start3A_10 : memref<625x8xf32, #tpu.memory_space<vmem_shared>>) target_semaphore(%run_scoped3A : memref<!tpu.dma_semaphore, #tpu.memory_space<semaphore_mem>>)
      %dma_wait3A = arith.constant 0 : i32
      %dma_wait3A_11 = tpu.memref_slice %arg13[%mul3A_2, %dma_wait3A] : memref<10000x8xf32, #tpu.memory_space<vmem_shared>> -> memref<625x8xf32, #tpu.memory_space<vmem_shared>>
      tpu.wait_dma2 semaphore(%run_scoped3A : memref<!tpu.dma_semaphore, #tpu.memory_space<semaphore_mem>>) src(%arg6 : memref<625x8xf32, #tpu.memory_space<hbm>>) dst(%dma_wait3A_11 : memref<625x8xf32, #tpu.memory_space<vmem_shared>>)
      tpu.yield
    }) : () -> ()
    %barrier3A = arith.constant 0 : index
    tpu.barrier barrier_id(%barrier3A)
    %scan3A = arith.constant 0 : i32
    %scan3A_3 = arith.constant 0 : i32
    %scan3A_4 = arith.constant 79 : i32
    %scan3A_5 = arith.addi %scan3A_3, %scan3A_4 : i32
    %scan3A_6 = arith.constant 1 : i32
    %scan3A_7 = scf.for %scan3A_10 = %scan3A_3 to %scan3A_5 step %scan3A_6 iter_args(%scan3A_11 = %scan3A) -> (i32)  : i32 {
      %mul3A_12 = arith.constant 32 : i32
      %mul3A_13 = arith.muli %scan3A_10, %mul3A_12 : i32
      %add3A_14 = arith.addi %mul3A_13, %add3A : i32
      %lt3A = arith.constant 2500 : i32
      %lt3A_15 = arith.cmpi slt, %add3A_14, %lt3A : i32
      %convert_element_type3A = arith.extui %lt3A_15 : i1 to i32
      %cond3A = arith.constant 0 : i32
      %cond3A_16 = arith.cmpi ne, %convert_element_type3A, %cond3A : i32
      scf.if %cond3A_16 {
        %mul3A_18 = arith.constant 128 : i32
        %mul3A_19 = arith.muli %add3A_14, %mul3A_18 : i32
        "tpu.region"() ({
          %run_scoped3A_21 = tpu.sem_alloc : memref<!tpu.dma_semaphore, #tpu.memory_space<semaphore_mem>>
          %dma_start3A = arith.constant 0 : i32
          %dma_start3A_22 = tpu.memref_slice %arg4[%add3A_14, %dma_start3A] : memref<2500x128xi32, #tpu.memory_space<hbm>> -> memref<1x128xi32, #tpu.memory_space<hbm>>
          %dma_start3A_23 = arith.constant 0 : i32
          %dma_start3A_24 = tpu.memref_slice %arg4[%add3A_14, %dma_start3A_23] : memref<2500x128xi32, #tpu.memory_space<hbm>> -> memref<1x128xi32, #tpu.memory_space<hbm>>
          tpu.enqueue_dma source(%dma_start3A_24 : memref<1x128xi32, #tpu.memory_space<hbm>>) target(%arg9 : memref<1x128xi32, #tpu.memory_space<vmem>>) target_semaphore(%run_scoped3A_21 : memref<!tpu.dma_semaphore, #tpu.memory_space<semaphore_mem>>)
          %dma_wait3A = arith.constant 0 : i32
          %dma_wait3A_25 = tpu.memref_slice %arg4[%add3A_14, %dma_wait3A] : memref<2500x128xi32, #tpu.memory_space<hbm>> -> memref<1x128xi32, #tpu.memory_space<hbm>>
          %dma_wait3A_26 = arith.constant 0 : i32
          %dma_wait3A_27 = tpu.memref_slice %arg4[%add3A_14, %dma_wait3A_26] : memref<2500x128xi32, #tpu.memory_space<hbm>> -> memref<1x128xi32, #tpu.memory_space<hbm>>
          tpu.wait_dma2 semaphore(%run_scoped3A_21 : memref<!tpu.dma_semaphore, #tpu.memory_space<semaphore_mem>>) src(%dma_wait3A_27 : memref<1x128xi32, #tpu.memory_space<hbm>>) dst(%arg9 : memref<1x128xi32, #tpu.memory_space<vmem>>)
          tpu.yield
        }) : () -> ()
        "tpu.region"() ({
          %run_scoped3A_21 = tpu.sem_alloc : memref<!tpu.dma_semaphore, #tpu.memory_space<semaphore_mem>>
          %dma_start3A = arith.constant 0 : i32
          %dma_start3A_22 = tpu.memref_slice %arg2[%mul3A_19, %dma_start3A] : memref<320000x128xf32, #tpu.memory_space<hbm>> -> memref<128x128xf32, #tpu.memory_space<hbm>>
          %dma_start3A_23 = arith.constant 0 : i32
          %dma_start3A_24 = tpu.memref_slice %arg2[%mul3A_19, %dma_start3A_23] : memref<320000x128xf32, #tpu.memory_space<hbm>> -> memref<128x128xf32, #tpu.memory_space<hbm>>
          tpu.enqueue_dma source(%dma_start3A_24 : memref<128x128xf32, #tpu.memory_space<hbm>>) target(%arg10 : memref<128x128xf32, #tpu.memory_space<vmem>>) target_semaphore(%run_scoped3A_21 : memref<!tpu.dma_semaphore, #tpu.memory_space<semaphore_mem>>)
          %dma_wait3A = arith.constant 0 : i32
          %dma_wait3A_25 = tpu.memref_slice %arg2[%mul3A_19, %dma_wait3A] : memref<320000x128xf32, #tpu.memory_space<hbm>> -> memref<128x128xf32, #tpu.memory_space<hbm>>
          %dma_wait3A_26 = arith.constant 0 : i32
          %dma_wait3A_27 = tpu.memref_slice %arg2[%mul3A_19, %dma_wait3A_26] : memref<320000x128xf32, #tpu.memory_space<hbm>> -> memref<128x128xf32, #tpu.memory_space<hbm>>
          tpu.wait_dma2 semaphore(%run_scoped3A_21 : memref<!tpu.dma_semaphore, #tpu.memory_space<semaphore_mem>>) src(%dma_wait3A_27 : memref<128x128xf32, #tpu.memory_space<hbm>>) dst(%arg10 : memref<128x128xf32, #tpu.memory_space<vmem>>)
          tpu.yield
        }) : () -> ()
        "tpu.region"() ({
          %run_scoped3A_21 = tpu.sem_alloc : memref<!tpu.dma_semaphore, #tpu.memory_space<semaphore_mem>>
          %dma_start3A = arith.constant 0 : i32
          %dma_start3A_22 = tpu.memref_slice %arg3[%mul3A_19, %dma_start3A] : memref<320000x8xf32, #tpu.memory_space<hbm>> -> memref<128x8xf32, #tpu.memory_space<hbm>>
          %dma_start3A_23 = arith.constant 0 : i32
          %dma_start3A_24 = tpu.memref_slice %arg3[%mul3A_19, %dma_start3A_23] : memref<320000x8xf32, #tpu.memory_space<hbm>> -> memref<128x8xf32, #tpu.memory_space<hbm>>
          tpu.enqueue_dma source(%dma_start3A_24 : memref<128x8xf32, #tpu.memory_space<hbm>>) target(%arg11 : memref<128x8xf32, #tpu.memory_space<vmem>>) target_semaphore(%run_scoped3A_21 : memref<!tpu.dma_semaphore, #tpu.memory_space<semaphore_mem>>)
          %dma_wait3A = arith.constant 0 : i32
          %dma_wait3A_25 = tpu.memref_slice %arg3[%mul3A_19, %dma_wait3A] : memref<320000x8xf32, #tpu.memory_space<hbm>> -> memref<128x8xf32, #tpu.memory_space<hbm>>
          %dma_wait3A_26 = arith.constant 0 : i32
          %dma_wait3A_27 = tpu.memref_slice %arg3[%mul3A_19, %dma_wait3A_26] : memref<320000x8xf32, #tpu.memory_space<hbm>> -> memref<128x8xf32, #tpu.memory_space<hbm>>
          tpu.wait_dma2 semaphore(%run_scoped3A_21 : memref<!tpu.dma_semaphore, #tpu.memory_space<semaphore_mem>>) src(%dma_wait3A_27 : memref<128x8xf32, #tpu.memory_space<hbm>>) dst(%arg11 : memref<128x8xf32, #tpu.memory_space<vmem>>)
          tpu.yield
        }) : () -> ()
        %run_scoped3A = arith.constant 0 : i32
        "tpu.region"() ({
          %run_scoped3A_21 = tpu.sem_alloc : memref<!tpu.dma_semaphore, #tpu.memory_space<semaphore_mem>>
          %dma_start3A = arith.constant 0 : i32
          %dma_start3A_22 = tpu.memref_slice %arg9[%run_scoped3A, %dma_start3A] : memref<1x128xi32, #tpu.memory_space<vmem>> -> memref<1x128xi32, #tpu.memory_space<vmem>>
          %dma_start3A_23 = tpu.memref_squeeze %dma_start3A_22 : memref<1x128xi32, #tpu.memory_space<vmem>> -> memref<128xi32, #tpu.memory_space<vmem>>
          %dma_start3A_24 = arith.constant 0 : i32
          %dma_start3A_25 = arith.constant 0 : i32
          %dma_start3A_26 = tpu.memref_slice %arg12[%dma_start3A_24, %dma_start3A_25] : memref<10000x128xf32, #tpu.memory_space<vmem_shared>> -> memref<10000x128xf32, #tpu.memory_space<vmem_shared>>
          tpu.enqueue_indirect_dma source(%arg10 : memref<128x128xf32, #tpu.memory_space<vmem>>) target(%dma_start3A_26 : memref<10000x128xf32, #tpu.memory_space<vmem_shared>>) offsets(%dma_start3A_23 : memref<128xi32, #tpu.memory_space<vmem>>) semaphore(%run_scoped3A_21 : memref<!tpu.dma_semaphore, #tpu.memory_space<semaphore_mem>>) {add = true}
          %dma_wait3A = arith.constant 0 : i32
          %dma_wait3A_27 = tpu.memref_slice %arg9[%run_scoped3A, %dma_wait3A] : memref<1x128xi32, #tpu.memory_space<vmem>> -> memref<1x128xi32, #tpu.memory_space<vmem>>
          %dma_wait3A_28 = tpu.memref_squeeze %dma_wait3A_27 : memref<1x128xi32, #tpu.memory_space<vmem>> -> memref<128xi32, #tpu.memory_space<vmem>>
          %dma_wait3A_29 = arith.constant 0 : i32
          %dma_wait3A_30 = arith.constant 0 : i32
          %dma_wait3A_31 = tpu.memref_slice %arg12[%dma_wait3A_29, %dma_wait3A_30] : memref<10000x128xf32, #tpu.memory_space<vmem_shared>> -> memref<10000x128xf32, #tpu.memory_space<vmem_shared>>
          tpu.wait_indirect_dma semaphore(%run_scoped3A_21 : memref<!tpu.dma_semaphore, #tpu.memory_space<semaphore_mem>>) src(%arg10 : memref<128x128xf32, #tpu.memory_space<vmem>>) dst(%dma_wait3A_31 : memref<10000x128xf32, #tpu.memory_space<vmem_shared>>)
          tpu.yield
        }) : () -> ()
        %run_scoped3A_20 = arith.constant 0 : i32
        "tpu.region"() ({
          %run_scoped3A_21 = tpu.sem_alloc : memref<!tpu.dma_semaphore, #tpu.memory_space<semaphore_mem>>
          %dma_start3A = arith.constant 0 : i32
          %dma_start3A_22 = tpu.memref_slice %arg9[%run_scoped3A_20, %dma_start3A] : memref<1x128xi32, #tpu.memory_space<vmem>> -> memref<1x128xi32, #tpu.memory_space<vmem>>
          %dma_start3A_23 = tpu.memref_squeeze %dma_start3A_22 : memref<1x128xi32, #tpu.memory_space<vmem>> -> memref<128xi32, #tpu.memory_space<vmem>>
          %dma_start3A_24 = arith.constant 0 : i32
          %dma_start3A_25 = arith.constant 0 : i32
          %dma_start3A_26 = tpu.memref_slice %arg13[%dma_start3A_24, %dma_start3A_25] : memref<10000x8xf32, #tpu.memory_space<vmem_shared>> -> memref<10000x8xf32, #tpu.memory_space<vmem_shared>>
          tpu.enqueue_indirect_dma source(%arg11 : memref<128x8xf32, #tpu.memory_space<vmem>>) target(%dma_start3A_26 : memref<10000x8xf32, #tpu.memory_space<vmem_shared>>) offsets(%dma_start3A_23 : memref<128xi32, #tpu.memory_space<vmem>>) semaphore(%run_scoped3A_21 : memref<!tpu.dma_semaphore, #tpu.memory_space<semaphore_mem>>) {add = true}
          %dma_wait3A = arith.constant 0 : i32
          %dma_wait3A_27 = tpu.memref_slice %arg9[%run_scoped3A_20, %dma_wait3A] : memref<1x128xi32, #tpu.memory_space<vmem>> -> memref<1x128xi32, #tpu.memory_space<vmem>>
          %dma_wait3A_28 = tpu.memref_squeeze %dma_wait3A_27 : memref<1x128xi32, #tpu.memory_space<vmem>> -> memref<128xi32, #tpu.memory_space<vmem>>
          %dma_wait3A_29 = arith.constant 0 : i32
          %dma_wait3A_30 = arith.constant 0 : i32
          %dma_wait3A_31 = tpu.memref_slice %arg13[%dma_wait3A_29, %dma_wait3A_30] : memref<10000x8xf32, #tpu.memory_space<vmem_shared>> -> memref<10000x8xf32, #tpu.memory_space<vmem_shared>>
          tpu.wait_indirect_dma semaphore(%run_scoped3A_21 : memref<!tpu.dma_semaphore, #tpu.memory_space<semaphore_mem>>) src(%arg11 : memref<128x8xf32, #tpu.memory_space<vmem>>) dst(%dma_wait3A_31 : memref<10000x8xf32, #tpu.memory_space<vmem_shared>>)
          tpu.yield
        }) : () -> ()
      } else {
      }
      %scan3A_17 = arith.constant 0 : i32
      scf.yield %scan3A_17 : i32
    }
    %scan3A_8 = arith.constant 79 : i32
    %barrier3A_9 = arith.constant 0 : index
    tpu.barrier barrier_id(%barrier3A_9)
    "tpu.region"() ({
      %run_scoped3A = tpu.sem_alloc : memref<!tpu.dma_semaphore, #tpu.memory_space<semaphore_mem>>
      %dma_start3A = arith.constant 0 : i32
      %dma_start3A_10 = tpu.memref_slice %arg7[%arg0, %mul3A_2, %dma_start3A] : memref<2x10000x128xf32, #tpu.memory_space<hbm>> -> memref<1x625x128xf32, #tpu.memory_space<hbm>>
      %dma_start3A_11 = tpu.memref_squeeze %dma_start3A_10 : memref<1x625x128xf32, #tpu.memory_space<hbm>> -> memref<625x128xf32, #tpu.memory_space<hbm>>
      %dma_start3A_12 = arith.constant 0 : i32
      %dma_start3A_13 = tpu.memref_slice %arg12[%mul3A_2, %dma_start3A_12] : memref<10000x128xf32, #tpu.memory_space<vmem_shared>> -> memref<625x128xf32, #tpu.memory_space<vmem_shared>>
      tpu.enqueue_dma source(%dma_start3A_13 : memref<625x128xf32, #tpu.memory_space<vmem_shared>>) target(%dma_start3A_11 : memref<625x128xf32, #tpu.memory_space<hbm>>) target_semaphore(%run_scoped3A : memref<!tpu.dma_semaphore, #tpu.memory_space<semaphore_mem>>)
      %dma_wait3A = arith.constant 0 : i32
      %dma_wait3A_14 = tpu.memref_slice %arg7[%arg0, %mul3A_2, %dma_wait3A] : memref<2x10000x128xf32, #tpu.memory_space<hbm>> -> memref<1x625x128xf32, #tpu.memory_space<hbm>>
      %dma_wait3A_15 = tpu.memref_squeeze %dma_wait3A_14 : memref<1x625x128xf32, #tpu.memory_space<hbm>> -> memref<625x128xf32, #tpu.memory_space<hbm>>
      %dma_wait3A_16 = arith.constant 0 : i32
      %dma_wait3A_17 = tpu.memref_slice %arg12[%mul3A_2, %dma_wait3A_16] : memref<10000x128xf32, #tpu.memory_space<vmem_shared>> -> memref<625x128xf32, #tpu.memory_space<vmem_shared>>
      tpu.wait_dma2 semaphore(%run_scoped3A : memref<!tpu.dma_semaphore, #tpu.memory_space<semaphore_mem>>) src(%dma_wait3A_17 : memref<625x128xf32, #tpu.memory_space<vmem_shared>>) dst(%dma_wait3A_15 : memref<625x128xf32, #tpu.memory_space<hbm>>)
      tpu.yield
    }) : () -> ()
    "tpu.region"() ({
      %run_scoped3A = tpu.sem_alloc : memref<!tpu.dma_semaphore, #tpu.memory_space<semaphore_mem>>
      %dma_start3A = arith.constant 0 : i32
      %dma_start3A_10 = tpu.memref_slice %arg8[%arg0, %mul3A_2, %dma_start3A] : memref<2x10000x8xf32, #tpu.memory_space<hbm>> -> memref<1x625x8xf32, #tpu.memory_space<hbm>>
      %dma_start3A_11 = tpu.memref_squeeze %dma_start3A_10 : memref<1x625x8xf32, #tpu.memory_space<hbm>> -> memref<625x8xf32, #tpu.memory_space<hbm>>
      %dma_start3A_12 = arith.constant 0 : i32
      %dma_start3A_13 = tpu.memref_slice %arg13[%mul3A_2, %dma_start3A_12] : memref<10000x8xf32, #tpu.memory_space<vmem_shared>> -> memref<625x8xf32, #tpu.memory_space<vmem_shared>>
      tpu.enqueue_dma source(%dma_start3A_13 : memref<625x8xf32, #tpu.memory_space<vmem_shared>>) target(%dma_start3A_11 : memref<625x8xf32, #tpu.memory_space<hbm>>) target_semaphore(%run_scoped3A : memref<!tpu.dma_semaphore, #tpu.memory_space<semaphore_mem>>)
      %dma_wait3A = arith.constant 0 : i32
      %dma_wait3A_14 = tpu.memref_slice %arg8[%arg0, %mul3A_2, %dma_wait3A] : memref<2x10000x8xf32, #tpu.memory_space<hbm>> -> memref<1x625x8xf32, #tpu.memory_space<hbm>>
      %dma_wait3A_15 = tpu.memref_squeeze %dma_wait3A_14 : memref<1x625x8xf32, #tpu.memory_space<hbm>> -> memref<625x8xf32, #tpu.memory_space<hbm>>
      %dma_wait3A_16 = arith.constant 0 : i32
      %dma_wait3A_17 = tpu.memref_slice %arg13[%mul3A_2, %dma_wait3A_16] : memref<10000x8xf32, #tpu.memory_space<vmem_shared>> -> memref<625x8xf32, #tpu.memory_space<vmem_shared>>
      tpu.wait_dma2 semaphore(%run_scoped3A : memref<!tpu.dma_semaphore, #tpu.memory_space<semaphore_mem>>) src(%dma_wait3A_17 : memref<625x8xf32, #tpu.memory_space<vmem_shared>>) dst(%dma_wait3A_15 : memref<625x8xf32, #tpu.memory_space<hbm>>)
      tpu.yield
    }) : () -> ()
    return
  }
}

module attributes {stable_mosaic.version = 14 : i64} {
  func.func @_prep_tc(%arg0: i32, %arg1: memref<1000x128xf32, #tpu.memory_space<vmem>>, %arg2: memref<128x128xf32, #tpu.memory_space<vmem>>, %arg3: memref<128x128xf32, #tpu.memory_space<vmem>>, %arg4: memref<1000x128xf32, #tpu.memory_space<vmem>>, %arg5: memref<1000x128xf32, #tpu.memory_space<vmem>>) attributes {dimension_semantics = [#tpu.dimension_semantics<arbitrary>], iteration_bounds = array<i64: 10>, scalar_prefetch = 0 : i64, scratch_operands = 0 : i64, tpu.core_type = #tpu.core_type<tc>, window_params = [{transform_indices = @transform_0, window_bounds = array<i64: 1000, 128>}, {pipeline_mode = #tpu.pipeline_mode<synchronous>, transform_indices = @transform_1, window_bounds = array<i64: 128, 128>}, {pipeline_mode = #tpu.pipeline_mode<synchronous>, transform_indices = @transform_2, window_bounds = array<i64: 128, 128>}, {transform_indices = @transform_3, window_bounds = array<i64: 1000, 128>}, {transform_indices = @transform_4, window_bounds = array<i64: 1000, 128>}]} {
    %get3A = arith.constant 0 : index
    %get3A_0 = arith.constant 0 : index
    %get3A_1 = vector.load %arg1[%get3A, %get3A_0] : memref<1000x128xf32, #tpu.memory_space<vmem>>, vector<1000x128xf32>
    %get3A_2 = arith.constant 0 : index
    %get3A_3 = arith.constant 0 : index
    %get3A_4 = vector.load %arg2[%get3A_2, %get3A_3] : memref<128x128xf32, #tpu.memory_space<vmem>>, vector<128x128xf32>
    %dot_general3A = arith.constant dense<0.000000e+00> : vector<1000x128xf32>
    %dot_general3A_5 = tpu.matmul %get3A_1, %get3A_4, %dot_general3A {dimension_numbers = #tpu.dot_dimension_numbers<[1], [0], [0], [1], [0, 0, 1, 1], [], []>, transpose_lhs_hint = false} : vector<1000x128xf32>, vector<128x128xf32>, vector<1000x128xf32> -> vector<1000x128xf32>
    %swap3A = arith.constant 0 : index
    %swap3A_6 = arith.constant 0 : index
    %swap3A_7 = vector.load %arg4[%swap3A, %swap3A_6] : memref<1000x128xf32, #tpu.memory_space<vmem>>, vector<1000x128xf32>
    tpu.vector_store %arg4[%swap3A, %swap3A_6], %dot_general3A_5 {strides = array<i32>} : memref<1000x128xf32, #tpu.memory_space<vmem>>, vector<1000x128xf32>,
    %get3A_8 = arith.constant 0 : index
    %get3A_9 = arith.constant 0 : index
    %get3A_10 = vector.load %arg3[%get3A_8, %get3A_9] : memref<128x128xf32, #tpu.memory_space<vmem>>, vector<128x128xf32>
    %dot_general3A_11 = arith.constant dense<0.000000e+00> : vector<1000x128xf32>
    %dot_general3A_12 = tpu.matmul %get3A_1, %get3A_10, %dot_general3A_11 {dimension_numbers = #tpu.dot_dimension_numbers<[1], [0], [0], [1], [0, 0, 1, 1], [], []>, transpose_lhs_hint = false} : vector<1000x128xf32>, vector<128x128xf32>, vector<1000x128xf32> -> vector<1000x128xf32>
    %swap3A_13 = arith.constant 0 : index
    %swap3A_14 = arith.constant 0 : index
    %swap3A_15 = vector.load %arg5[%swap3A_13, %swap3A_14] : memref<1000x128xf32, #tpu.memory_space<vmem>>, vector<1000x128xf32>
    tpu.vector_store %arg5[%swap3A_13, %swap3A_14], %dot_general3A_12 {strides = array<i32>} : memref<1000x128xf32, #tpu.memory_space<vmem>>, vector<1000x128xf32>,
    return
  }
  func.func @transform_0(%arg0: i32) -> (i32, i32) {
    %c0_i32 = arith.constant 0 : i32
    %c0_i32_0 = arith.constant 0 : i32
    return %arg0, %c0_i32 : i32, i32
  }
  func.func @transform_1(%arg0: i32) -> (i32, i32) {
    %c0_i32 = arith.constant 0 : i32
    %c0_i32_0 = arith.constant 0 : i32
    %c0_i32_1 = arith.constant 0 : i32
    return %c0_i32, %c0_i32_0 : i32, i32
  }
  func.func @transform_2(%arg0: i32) -> (i32, i32) {
    %c0_i32 = arith.constant 0 : i32
    %c0_i32_0 = arith.constant 0 : i32
    %c0_i32_1 = arith.constant 0 : i32
    return %c0_i32, %c0_i32_0 : i32, i32
  }
  func.func @transform_3(%arg0: i32) -> (i32, i32) {
    %c0_i32 = arith.constant 0 : i32
    %c0_i32_0 = arith.constant 0 : i32
    return %arg0, %c0_i32 : i32, i32
  }
  func.func @transform_4(%arg0: i32) -> (i32, i32) {
    %c0_i32 = arith.constant 0 : i32
    %c0_i32_0 = arith.constant 0 : i32
    return %arg0, %c0_i32 : i32, i32
  }
}

module attributes {stable_mosaic.version = 14 : i64} {
  func.func @_edge_tc(%arg0: i32, %arg1: memref<512x128xf32, #tpu.memory_space<vmem>>, %arg2: memref<512x128xf32, #tpu.memory_space<vmem>>, %arg3: memref<512x8xf32, #tpu.memory_space<vmem>>, %arg4: memref<512x8xf32, #tpu.memory_space<vmem>>, %arg5: memref<512x16xf32, #tpu.memory_space<vmem>>, %arg6: memref<8x128xf32, #tpu.memory_space<vmem>>, %arg7: memref<16x128xf32, #tpu.memory_space<vmem>>, %arg8: memref<128xf32, #tpu.memory_space<vmem>>, %arg9: memref<128x128xf32, #tpu.memory_space<vmem>>, %arg10: memref<128xf32, #tpu.memory_space<vmem>>, %arg11: memref<128x128xf32, #tpu.memory_space<vmem>>, %arg12: memref<128xf32, #tpu.memory_space<vmem>>, %arg13: memref<128x1xf32, #tpu.memory_space<vmem>>, %arg14: memref<1xf32, #tpu.memory_space<vmem>>, %arg15: memref<512x128xf32, #tpu.memory_space<vmem>>, %arg16: memref<512x8xf32, #tpu.memory_space<vmem>>) attributes {dimension_semantics = [#tpu.dimension_semantics<arbitrary>], iteration_bounds = array<i64: 625>, scalar_prefetch = 0 : i64, scratch_operands = 0 : i64, tpu.core_type = #tpu.core_type<tc>, window_params = [{transform_indices = @transform_0, window_bounds = array<i64: 512, 128>}, {transform_indices = @transform_1, window_bounds = array<i64: 512, 128>}, {transform_indices = @transform_2, window_bounds = array<i64: 512, 8>}, {transform_indices = @transform_3, window_bounds = array<i64: 512, 8>}, {transform_indices = @transform_4, window_bounds = array<i64: 512, 16>}, {pipeline_mode = #tpu.pipeline_mode<synchronous>, transform_indices = @transform_5, window_bounds = array<i64: 8, 128>}, {pipeline_mode = #tpu.pipeline_mode<synchronous>, transform_indices = @transform_6, window_bounds = array<i64: 16, 128>}, {pipeline_mode = #tpu.pipeline_mode<synchronous>, transform_indices = @transform_7, window_bounds = array<i64: 128>}, {pipeline_mode = #tpu.pipeline_mode<synchronous>, transform_indices = @transform_8, window_bounds = array<i64: 128, 128>}, {pipeline_mode = #tpu.pipeline_mode<synchronous>, transform_indices = @transform_9, window_bounds = array<i64: 128>}, {pipeline_mode = #tpu.pipeline_mode<synchronous>, transform_indices = @transform_10, window_bounds = array<i64: 128, 128>}, {pipeline_mode = #tpu.pipeline_mode<synchronous>, transform_indices = @transform_11, window_bounds = array<i64: 128>}, {pipeline_mode = #tpu.pipeline_mode<synchronous>, transform_indices = @transform_12, window_bounds = array<i64: 128, 1>}, {pipeline_mode = #tpu.pipeline_mode<synchronous>, transform_indices = @transform_13, window_bounds = array<i64: 1>}, {transform_indices = @transform_14, window_bounds = array<i64: 512, 128>}, {transform_indices = @transform_15, window_bounds = array<i64: 512, 8>}]} {
    %get3A = arith.constant 0 : index
    %get3A_0 = arith.constant 0 : index
    %get3A_1 = vector.load %arg3[%get3A, %get3A_0] : memref<512x8xf32, #tpu.memory_space<vmem>>, vector<512x8xf32>
    %get3A_2 = arith.constant 0 : index
    %get3A_3 = arith.constant 0 : index
    %get3A_4 = vector.load %arg4[%get3A_2, %get3A_3] : memref<512x8xf32, #tpu.memory_space<vmem>>, vector<512x8xf32>
    %sub3A = arith.subf %get3A_1, %get3A_4 : vector<512x8xf32>
    %get3A_5 = arith.constant 0 : index
    %get3A_6 = arith.constant 0 : index
    %get3A_7 = vector.load %arg1[%get3A_5, %get3A_6] : memref<512x128xf32, #tpu.memory_space<vmem>>, vector<512x128xf32>
    %get3A_8 = arith.constant 0 : index
    %get3A_9 = arith.constant 0 : index
    %get3A_10 = vector.load %arg2[%get3A_8, %get3A_9] : memref<512x128xf32, #tpu.memory_space<vmem>>, vector<512x128xf32>
    %add3A = arith.addf %get3A_7, %get3A_10 : vector<512x128xf32>
    %get3A_11 = arith.constant 0 : index
    %get3A_12 = arith.constant 0 : index
    %get3A_13 = vector.load %arg6[%get3A_11, %get3A_12] : memref<8x128xf32, #tpu.memory_space<vmem>>, vector<8x128xf32>
    %dot_general3A = arith.constant dense<0.000000e+00> : vector<512x128xf32>
    %dot_general3A_14 = tpu.matmul %sub3A, %get3A_13, %dot_general3A {dimension_numbers = #tpu.dot_dimension_numbers<[1], [0], [0], [1], [0, 0, 1, 1], [], []>, transpose_lhs_hint = false} : vector<512x8xf32>, vector<8x128xf32>, vector<512x128xf32> -> vector<512x128xf32>
    %add3A_15 = arith.addf %add3A, %dot_general3A_14 : vector<512x128xf32>
    %get3A_16 = arith.constant 0 : index
    %get3A_17 = arith.constant 0 : index
    %get3A_18 = vector.load %arg5[%get3A_16, %get3A_17] : memref<512x16xf32, #tpu.memory_space<vmem>>, vector<512x16xf32>
    %get3A_19 = arith.constant 0 : index
    %get3A_20 = arith.constant 0 : index
    %get3A_21 = vector.load %arg7[%get3A_19, %get3A_20] : memref<16x128xf32, #tpu.memory_space<vmem>>, vector<16x128xf32>
    %dot_general3A_22 = arith.constant dense<0.000000e+00> : vector<512x128xf32>
    %dot_general3A_23 = tpu.matmul %get3A_18, %get3A_21, %dot_general3A_22 {dimension_numbers = #tpu.dot_dimension_numbers<[1], [0], [0], [1], [0, 0, 1, 1], [], []>, transpose_lhs_hint = false} : vector<512x16xf32>, vector<16x128xf32>, vector<512x128xf32> -> vector<512x128xf32>
    %add3A_24 = arith.addf %add3A_15, %dot_general3A_23 : vector<512x128xf32>
    %get3A_25 = arith.constant 0 : index
    %get3A_26 = vector.load %arg8[%get3A_25] : memref<128xf32, #tpu.memory_space<vmem>>, vector<128xf32>
    %broadcast_in_dim3A = vector.shape_cast %get3A_26 : vector<128xf32> to vector<1x128xf32>
    %add3A_27 = vector.broadcast %broadcast_in_dim3A : vector<1x128xf32> to vector<512x128xf32>
    %add3A_28 = arith.addf %add3A_24, %add3A_27 : vector<512x128xf32>
    %logistic3A = arith.negf %add3A_28 : vector<512x128xf32>
    %logistic3A_29 = math.exp %logistic3A : vector<512x128xf32>
    %logistic3A_30 = arith.constant 1.000000e+00 : f32
    %logistic3A_31 = vector.broadcast %logistic3A_30 : f32 to vector<512x128xf32>
    %logistic3A_32 = arith.addf %logistic3A_31, %logistic3A_29 : vector<512x128xf32>
    %logistic3A_33 = arith.divf %logistic3A_31, %logistic3A_32 : vector<512x128xf32>
    %mul3A = arith.mulf %add3A_28, %logistic3A_33 : vector<512x128xf32>
    %get3A_34 = arith.constant 0 : index
    %get3A_35 = arith.constant 0 : index
    %get3A_36 = vector.load %arg9[%get3A_34, %get3A_35] : memref<128x128xf32, #tpu.memory_space<vmem>>, vector<128x128xf32>
    %dot_general3A_37 = arith.constant dense<0.000000e+00> : vector<512x128xf32>
    %dot_general3A_38 = tpu.matmul %mul3A, %get3A_36, %dot_general3A_37 {dimension_numbers = #tpu.dot_dimension_numbers<[1], [0], [0], [1], [0, 0, 1, 1], [], []>, transpose_lhs_hint = false} : vector<512x128xf32>, vector<128x128xf32>, vector<512x128xf32> -> vector<512x128xf32>
    %get3A_39 = arith.constant 0 : index
    %get3A_40 = vector.load %arg10[%get3A_39] : memref<128xf32, #tpu.memory_space<vmem>>, vector<128xf32>
    %broadcast_in_dim3A_41 = vector.shape_cast %get3A_40 : vector<128xf32> to vector<1x128xf32>
    %add3A_42 = vector.broadcast %broadcast_in_dim3A_41 : vector<1x128xf32> to vector<512x128xf32>
    %add3A_43 = arith.addf %dot_general3A_38, %add3A_42 : vector<512x128xf32>
    %swap3A = arith.constant 0 : index
    %swap3A_44 = arith.constant 0 : index
    %swap3A_45 = vector.load %arg15[%swap3A, %swap3A_44] : memref<512x128xf32, #tpu.memory_space<vmem>>, vector<512x128xf32>
    tpu.vector_store %arg15[%swap3A, %swap3A_44], %add3A_43 {strides = array<i32>} : memref<512x128xf32, #tpu.memory_space<vmem>>, vector<512x128xf32>,
    %get3A_46 = arith.constant 0 : index
    %get3A_47 = arith.constant 0 : index
    %get3A_48 = vector.load %arg11[%get3A_46, %get3A_47] : memref<128x128xf32, #tpu.memory_space<vmem>>, vector<128x128xf32>
    %dot_general3A_49 = arith.constant dense<0.000000e+00> : vector<512x128xf32>
    %dot_general3A_50 = tpu.matmul %add3A_43, %get3A_48, %dot_general3A_49 {dimension_numbers = #tpu.dot_dimension_numbers<[1], [0], [0], [1], [0, 0, 1, 1], [], []>, transpose_lhs_hint = false} : vector<512x128xf32>, vector<128x128xf32>, vector<512x128xf32> -> vector<512x128xf32>
    %get3A_51 = arith.constant 0 : index
    %get3A_52 = vector.load %arg12[%get3A_51] : memref<128xf32, #tpu.memory_space<vmem>>, vector<128xf32>
    %broadcast_in_dim3A_53 = vector.shape_cast %get3A_52 : vector<128xf32> to vector<1x128xf32>
    %add3A_54 = vector.broadcast %broadcast_in_dim3A_53 : vector<1x128xf32> to vector<512x128xf32>
    %add3A_55 = arith.addf %dot_general3A_50, %add3A_54 : vector<512x128xf32>
    %logistic3A_56 = arith.negf %add3A_55 : vector<512x128xf32>
    %logistic3A_57 = math.exp %logistic3A_56 : vector<512x128xf32>
    %logistic3A_58 = arith.constant 1.000000e+00 : f32
    %logistic3A_59 = vector.broadcast %logistic3A_58 : f32 to vector<512x128xf32>
    %logistic3A_60 = arith.addf %logistic3A_59, %logistic3A_57 : vector<512x128xf32>
    %logistic3A_61 = arith.divf %logistic3A_59, %logistic3A_60 : vector<512x128xf32>
    %mul3A_62 = arith.mulf %add3A_55, %logistic3A_61 : vector<512x128xf32>
    %get3A_63 = arith.constant 0 : index
    %get3A_64 = arith.constant 0 : index
    %get3A_65 = vector.load %arg13[%get3A_63, %get3A_64] : memref<128x1xf32, #tpu.memory_space<vmem>>, vector<128x1xf32>
    %dot_general3A_66 = arith.constant dense<0.000000e+00> : vector<512x1xf32>
    %dot_general3A_67 = tpu.matmul %mul3A_62, %get3A_65, %dot_general3A_66 {dimension_numbers = #tpu.dot_dimension_numbers<[1], [0], [0], [1], [0, 0, 1, 1], [], []>, transpose_lhs_hint = false} : vector<512x128xf32>, vector<128x1xf32>, vector<512x1xf32> -> vector<512x1xf32>
    %get3A_68 = arith.constant 0 : index
    %get3A_69 = vector.load %arg14[%get3A_68] : memref<1xf32, #tpu.memory_space<vmem>>, vector<1xf32>
    %broadcast_in_dim3A_70 = vector.shape_cast %get3A_69 : vector<1xf32> to vector<1x1xf32>
    %add3A_71 = vector.broadcast %broadcast_in_dim3A_70 : vector<1x1xf32> to vector<512x1xf32>
    %add3A_72 = arith.addf %dot_general3A_67, %add3A_71 : vector<512x1xf32>
    %iota3A = tpu.iota {dimensions = array<i32: 1>} : vector<512x8xi32>
    %mul3A_73 = vector.broadcast %add3A_72 : vector<512x1xf32> to vector<512x8xf32>
    %mul3A_74 = arith.mulf %sub3A, %mul3A_73 : vector<512x8xf32>
    %eq3A = arith.constant 3 : i32
    %eq3A_75 = vector.broadcast %eq3A : i32 to vector<512x8xi32>
    %eq3A_76 = arith.cmpi eq, %iota3A, %eq3A_75 : vector<512x8xi32>
    %jit3A = arith.constant 1.000000e+00 : f32
    %jit3A_77 = arith.constant 0.000000e+00 : f32
    %broadcast_in_dim3A_78 = vector.broadcast %jit3A : f32 to vector<512x8xf32>
    %broadcast_in_dim3A_79 = vector.broadcast %jit3A_77 : f32 to vector<512x8xf32>
    %select_n3A = arith.select %eq3A_76, %broadcast_in_dim3A_78, %broadcast_in_dim3A_79 : vector<512x8xi1>, vector<512x8xf32>
    %add3A_80 = arith.addf %mul3A_74, %select_n3A : vector<512x8xf32>
    %swap3A_81 = arith.constant 0 : index
    %swap3A_82 = arith.constant 0 : index
    %swap3A_83 = vector.load %arg16[%swap3A_81, %swap3A_82] : memref<512x8xf32, #tpu.memory_space<vmem>>, vector<512x8xf32>
    tpu.vector_store %arg16[%swap3A_81, %swap3A_82], %add3A_80 {strides = array<i32>} : memref<512x8xf32, #tpu.memory_space<vmem>>, vector<512x8xf32>,
    return
  }
  func.func @transform_0(%arg0: i32) -> (i32, i32) {
    %c0_i32 = arith.constant 0 : i32
    %c0_i32_0 = arith.constant 0 : i32
    return %arg0, %c0_i32 : i32, i32
  }
  func.func @transform_1(%arg0: i32) -> (i32, i32) {
    %c0_i32 = arith.constant 0 : i32
    %c0_i32_0 = arith.constant 0 : i32
    return %arg0, %c0_i32 : i32, i32
  }
  func.func @transform_2(%arg0: i32) -> (i32, i32) {
    %c0_i32 = arith.constant 0 : i32
    %c0_i32_0 = arith.constant 0 : i32
    return %arg0, %c0_i32 : i32, i32
  }
  func.func @transform_3(%arg0: i32) -> (i32, i32) {
    %c0_i32 = arith.constant 0 : i32
    %c0_i32_0 = arith.constant 0 : i32
    return %arg0, %c0_i32 : i32, i32
  }
  func.func @transform_4(%arg0: i32) -> (i32, i32) {
    %c0_i32 = arith.constant 0 : i32
    %c0_i32_0 = arith.constant 0 : i32
    return %arg0, %c0_i32 : i32, i32
  }
  func.func @transform_5(%arg0: i32) -> (i32, i32) {
    %c0_i32 = arith.constant 0 : i32
    %c0_i32_0 = arith.constant 0 : i32
    %c0_i32_1 = arith.constant 0 : i32
    return %c0_i32, %c0_i32_0 : i32, i32
  }
  func.func @transform_6(%arg0: i32) -> (i32, i32) {
    %c0_i32 = arith.constant 0 : i32
    %c0_i32_0 = arith.constant 0 : i32
    %c0_i32_1 = arith.constant 0 : i32
    return %c0_i32, %c0_i32_0 : i32, i32
  }
  func.func @transform_7(%arg0: i32) -> i32 {
    %c0_i32 = arith.constant 0 : i32
    %c0_i32_0 = arith.constant 0 : i32
    return %c0_i32 : i32
  }
  func.func @transform_8(%arg0: i32) -> (i32, i32) {
    %c0_i32 = arith.constant 0 : i32
    %c0_i32_0 = arith.constant 0 : i32
    %c0_i32_1 = arith.constant 0 : i32
    return %c0_i32, %c0_i32_0 : i32, i32
  }
  func.func @transform_9(%arg0: i32) -> i32 {
    %c0_i32 = arith.constant 0 : i32
    %c0_i32_0 = arith.constant 0 : i32
    return %c0_i32 : i32
  }
  func.func @transform_10(%arg0: i32) -> (i32, i32) {
    %c0_i32 = arith.constant 0 : i32
    %c0_i32_0 = arith.constant 0 : i32
    %c0_i32_1 = arith.constant 0 : i32
    return %c0_i32, %c0_i32_0 : i32, i32
  }
  func.func @transform_11(%arg0: i32) -> i32 {
    %c0_i32 = arith.constant 0 : i32
    %c0_i32_0 = arith.constant 0 : i32
    return %c0_i32 : i32
  }
  func.func @transform_12(%arg0: i32) -> (i32, i32) {
    %c0_i32 = arith.constant 0 : i32
    %c0_i32_0 = arith.constant 0 : i32
    %c0_i32_1 = arith.constant 0 : i32
    return %c0_i32, %c0_i32_0 : i32, i32
  }
  func.func @transform_13(%arg0: i32) -> i32 {
    %c0_i32 = arith.constant 0 : i32
    %c0_i32_0 = arith.constant 0 : i32
    return %c0_i32 : i32
  }
  func.func @transform_14(%arg0: i32) -> (i32, i32) {
    %c0_i32 = arith.constant 0 : i32
    %c0_i32_0 = arith.constant 0 : i32
    return %arg0, %c0_i32 : i32, i32
  }
  func.func @transform_15(%arg0: i32) -> (i32, i32) {
    %c0_i32 = arith.constant 0 : i32
    %c0_i32_0 = arith.constant 0 : i32
    return %arg0, %c0_i32 : i32, i32
  }
}

module attributes {stable_mosaic.version = 14 : i64} {
  func.func @_node_tc(%arg0: i32, %arg1: memref<1000x128xf32, #tpu.memory_space<vmem>>, %arg2: memref<1000x8xf32, #tpu.memory_space<vmem>>, %arg3: memref<1000x128xf32, #tpu.memory_space<vmem>>, %arg4: memref<1000x128xf32, #tpu.memory_space<vmem>>, %arg5: memref<1000x8xf32, #tpu.memory_space<vmem>>, %arg6: memref<1000x8xf32, #tpu.memory_space<vmem>>, %arg7: memref<128x128xf32, #tpu.memory_space<vmem>>, %arg8: memref<128x128xf32, #tpu.memory_space<vmem>>, %arg9: memref<128xf32, #tpu.memory_space<vmem>>, %arg10: memref<128x128xf32, #tpu.memory_space<vmem>>, %arg11: memref<128xf32, #tpu.memory_space<vmem>>, %arg12: memref<128xf32, #tpu.memory_space<vmem>>, %arg13: memref<128xf32, #tpu.memory_space<vmem>>, %arg14: memref<1000x128xf32, #tpu.memory_space<vmem>>, %arg15: memref<1000x8xf32, #tpu.memory_space<vmem>>) attributes {dimension_semantics = [#tpu.dimension_semantics<arbitrary>], iteration_bounds = array<i64: 10>, scalar_prefetch = 0 : i64, scratch_operands = 0 : i64, tpu.core_type = #tpu.core_type<tc>, window_params = [{transform_indices = @transform_0, window_bounds = array<i64: 1000, 128>}, {transform_indices = @transform_1, window_bounds = array<i64: 1000, 8>}, {transform_indices = @transform_2, window_bounds = array<i64: 1000, 128>}, {transform_indices = @transform_3, window_bounds = array<i64: 1000, 128>}, {transform_indices = @transform_4, window_bounds = array<i64: 1000, 8>}, {transform_indices = @transform_5, window_bounds = array<i64: 1000, 8>}, {pipeline_mode = #tpu.pipeline_mode<synchronous>, transform_indices = @transform_6, window_bounds = array<i64: 128, 128>}, {pipeline_mode = #tpu.pipeline_mode<synchronous>, transform_indices = @transform_7, window_bounds = array<i64: 128, 128>}, {pipeline_mode = #tpu.pipeline_mode<synchronous>, transform_indices = @transform_8, window_bounds = array<i64: 128>}, {pipeline_mode = #tpu.pipeline_mode<synchronous>, transform_indices = @transform_9, window_bounds = array<i64: 128, 128>}, {pipeline_mode = #tpu.pipeline_mode<synchronous>, transform_indices = @transform_10, window_bounds = array<i64: 128>}, {pipeline_mode = #tpu.pipeline_mode<synchronous>, transform_indices = @transform_11, window_bounds = array<i64: 128>}, {pipeline_mode = #tpu.pipeline_mode<synchronous>, transform_indices = @transform_12, window_bounds = array<i64: 128>}, {transform_indices = @transform_13, window_bounds = array<i64: 1000, 128>}, {transform_indices = @transform_14, window_bounds = array<i64: 1000, 8>}]} {
    %get3A = arith.constant 0 : index
    %get3A_0 = arith.constant 0 : index
    %get3A_1 = vector.load %arg1[%get3A, %get3A_0] : memref<1000x128xf32, #tpu.memory_space<vmem>>, vector<1000x128xf32>
    %get3A_2 = arith.constant 0 : index
    %get3A_3 = arith.constant 0 : index
    %get3A_4 = vector.load %arg3[%get3A_2, %get3A_3] : memref<1000x128xf32, #tpu.memory_space<vmem>>, vector<1000x128xf32>
    %get3A_5 = arith.constant 0 : index
    %get3A_6 = arith.constant 0 : index
    %get3A_7 = vector.load %arg4[%get3A_5, %get3A_6] : memref<1000x128xf32, #tpu.memory_space<vmem>>, vector<1000x128xf32>
    %add3A = arith.addf %get3A_4, %get3A_7 : vector<1000x128xf32>
    %get3A_8 = arith.constant 0 : index
    %get3A_9 = arith.constant 0 : index
    %get3A_10 = vector.load %arg7[%get3A_8, %get3A_9] : memref<128x128xf32, #tpu.memory_space<vmem>>, vector<128x128xf32>
    %dot_general3A = arith.constant dense<0.000000e+00> : vector<1000x128xf32>
    %dot_general3A_11 = tpu.matmul %get3A_1, %get3A_10, %dot_general3A {dimension_numbers = #tpu.dot_dimension_numbers<[1], [0], [0], [1], [0, 0, 1, 1], [], []>, transpose_lhs_hint = false} : vector<1000x128xf32>, vector<128x128xf32>, vector<1000x128xf32> -> vector<1000x128xf32>
    %get3A_12 = arith.constant 0 : index
    %get3A_13 = arith.constant 0 : index
    %get3A_14 = vector.load %arg8[%get3A_12, %get3A_13] : memref<128x128xf32, #tpu.memory_space<vmem>>, vector<128x128xf32>
    %dot_general3A_15 = arith.constant dense<0.000000e+00> : vector<1000x128xf32>
    %dot_general3A_16 = tpu.matmul %add3A, %get3A_14, %dot_general3A_15 {dimension_numbers = #tpu.dot_dimension_numbers<[1], [0], [0], [1], [0, 0, 1, 1], [], []>, transpose_lhs_hint = false} : vector<1000x128xf32>, vector<128x128xf32>, vector<1000x128xf32> -> vector<1000x128xf32>
    %add3A_17 = arith.addf %dot_general3A_11, %dot_general3A_16 : vector<1000x128xf32>
    %get3A_18 = arith.constant 0 : index
    %get3A_19 = vector.load %arg9[%get3A_18] : memref<128xf32, #tpu.memory_space<vmem>>, vector<128xf32>
    %broadcast_in_dim3A = vector.shape_cast %get3A_19 : vector<128xf32> to vector<1x128xf32>
    %add3A_20 = vector.broadcast %broadcast_in_dim3A : vector<1x128xf32> to vector<1000x128xf32>
    %add3A_21 = arith.addf %add3A_17, %add3A_20 : vector<1000x128xf32>
    %logistic3A = arith.negf %add3A_21 : vector<1000x128xf32>
    %logistic3A_22 = math.exp %logistic3A : vector<1000x128xf32>
    %logistic3A_23 = arith.constant 1.000000e+00 : f32
    %logistic3A_24 = vector.broadcast %logistic3A_23 : f32 to vector<1000x128xf32>
    %logistic3A_25 = arith.addf %logistic3A_24, %logistic3A_22 : vector<1000x128xf32>
    %logistic3A_26 = arith.divf %logistic3A_24, %logistic3A_25 : vector<1000x128xf32>
    %mul3A = arith.mulf %add3A_21, %logistic3A_26 : vector<1000x128xf32>
    %get3A_27 = arith.constant 0 : index
    %get3A_28 = arith.constant 0 : index
    %get3A_29 = vector.load %arg10[%get3A_27, %get3A_28] : memref<128x128xf32, #tpu.memory_space<vmem>>, vector<128x128xf32>
    %dot_general3A_30 = arith.constant dense<0.000000e+00> : vector<1000x128xf32>
    %dot_general3A_31 = tpu.matmul %mul3A, %get3A_29, %dot_general3A_30 {dimension_numbers = #tpu.dot_dimension_numbers<[1], [0], [0], [1], [0, 0, 1, 1], [], []>, transpose_lhs_hint = false} : vector<1000x128xf32>, vector<128x128xf32>, vector<1000x128xf32> -> vector<1000x128xf32>
    %get3A_32 = arith.constant 0 : index
    %get3A_33 = vector.load %arg11[%get3A_32] : memref<128xf32, #tpu.memory_space<vmem>>, vector<128xf32>
    %broadcast_in_dim3A_34 = vector.shape_cast %get3A_33 : vector<128xf32> to vector<1x128xf32>
    %add3A_35 = vector.broadcast %broadcast_in_dim3A_34 : vector<1x128xf32> to vector<1000x128xf32>
    %add3A_36 = arith.addf %dot_general3A_31, %add3A_35 : vector<1000x128xf32>
    %add3A_37 = arith.addf %get3A_1, %add3A_36 : vector<1000x128xf32>
    %reduce_sum3A = arith.constant dense<0.000000e+00> : vector<1000xf32>
    %reduce_sum3A_38 = vector.multi_reduction <add>, %add3A_37, %reduce_sum3A [1] : vector<1000x128xf32> to vector<1000xf32>
    %broadcast_in_dim3A_39 = vector.shape_cast %reduce_sum3A_38 : vector<1000xf32> to vector<1000x1xf32>
    %div3A = arith.constant 1.280000e+02 : f32
    %div3A_40 = vector.broadcast %div3A : f32 to vector<1000x1xf32>
    %div3A_41 = arith.divf %broadcast_in_dim3A_39, %div3A_40 : vector<1000x1xf32>
    %sub3A = vector.broadcast %div3A_41 : vector<1000x1xf32> to vector<1000x128xf32>
    %sub3A_42 = arith.subf %add3A_37, %sub3A : vector<1000x128xf32>
    %mul3A_43 = arith.mulf %sub3A_42, %sub3A_42 : vector<1000x128xf32>
    %reduce_sum3A_44 = arith.constant dense<0.000000e+00> : vector<1000xf32>
    %reduce_sum3A_45 = vector.multi_reduction <add>, %mul3A_43, %reduce_sum3A_44 [1] : vector<1000x128xf32> to vector<1000xf32>
    %broadcast_in_dim3A_46 = vector.shape_cast %reduce_sum3A_45 : vector<1000xf32> to vector<1000x1xf32>
    %div3A_47 = arith.constant 1.280000e+02 : f32
    %div3A_48 = vector.broadcast %div3A_47 : f32 to vector<1000x1xf32>
    %div3A_49 = arith.divf %broadcast_in_dim3A_46, %div3A_48 : vector<1000x1xf32>
    %add3A_50 = arith.constant 9.99999974E-6 : f32
    %add3A_51 = vector.broadcast %add3A_50 : f32 to vector<1000x1xf32>
    %add3A_52 = arith.addf %div3A_49, %add3A_51 : vector<1000x1xf32>
    %rsqrt3A = math.rsqrt %add3A_52 : vector<1000x1xf32>
    %mul3A_53 = vector.broadcast %rsqrt3A : vector<1000x1xf32> to vector<1000x128xf32>
    %mul3A_54 = arith.mulf %sub3A_42, %mul3A_53 : vector<1000x128xf32>
    %get3A_55 = arith.constant 0 : index
    %get3A_56 = vector.load %arg12[%get3A_55] : memref<128xf32, #tpu.memory_space<vmem>>, vector<128xf32>
    %broadcast_in_dim3A_57 = vector.shape_cast %get3A_56 : vector<128xf32> to vector<1x128xf32>
    %mul3A_58 = vector.broadcast %broadcast_in_dim3A_57 : vector<1x128xf32> to vector<1000x128xf32>
    %mul3A_59 = arith.mulf %mul3A_54, %mul3A_58 : vector<1000x128xf32>
    %get3A_60 = arith.constant 0 : index
    %get3A_61 = vector.load %arg13[%get3A_60] : memref<128xf32, #tpu.memory_space<vmem>>, vector<128xf32>
    %broadcast_in_dim3A_62 = vector.shape_cast %get3A_61 : vector<128xf32> to vector<1x128xf32>
    %add3A_63 = vector.broadcast %broadcast_in_dim3A_62 : vector<1x128xf32> to vector<1000x128xf32>
    %add3A_64 = arith.addf %mul3A_59, %add3A_63 : vector<1000x128xf32>
    %swap3A = arith.constant 0 : index
    %swap3A_65 = arith.constant 0 : index
    %swap3A_66 = vector.load %arg14[%swap3A, %swap3A_65] : memref<1000x128xf32, #tpu.memory_space<vmem>>, vector<1000x128xf32>
    tpu.vector_store %arg14[%swap3A, %swap3A_65], %add3A_64 {strides = array<i32>} : memref<1000x128xf32, #tpu.memory_space<vmem>>, vector<1000x128xf32>,
    %get3A_67 = arith.constant 0 : index
    %get3A_68 = arith.constant 0 : index
    %get3A_69 = vector.load %arg5[%get3A_67, %get3A_68] : memref<1000x8xf32, #tpu.memory_space<vmem>>, vector<1000x8xf32>
    %get3A_70 = arith.constant 0 : index
    %get3A_71 = arith.constant 0 : index
    %get3A_72 = vector.load %arg6[%get3A_70, %get3A_71] : memref<1000x8xf32, #tpu.memory_space<vmem>>, vector<1000x8xf32>
    %add3A_73 = arith.addf %get3A_69, %get3A_72 : vector<1000x8xf32>
    %slice3A = vector.extract_strided_slice %add3A_73 {offsets = [0, 3], sizes = [1000, 1], strides = [1, 1]} : vector<1000x8xf32> to vector<1000x1xf32>
    %max3A = arith.constant 1.000000e+00 : f32
    %max3A_74 = vector.broadcast %max3A : f32 to vector<1000x1xf32>
    %max3A_75 = arith.maximumf %slice3A, %max3A_74 : vector<1000x1xf32>
    %get3A_76 = arith.constant 0 : index
    %get3A_77 = arith.constant 0 : index
    %get3A_78 = vector.load %arg2[%get3A_76, %get3A_77] : memref<1000x8xf32, #tpu.memory_space<vmem>>, vector<1000x8xf32>
    %div3A_79 = vector.broadcast %max3A_75 : vector<1000x1xf32> to vector<1000x8xf32>
    %div3A_80 = arith.divf %add3A_73, %div3A_79 : vector<1000x8xf32>
    %add3A_81 = arith.addf %get3A_78, %div3A_80 : vector<1000x8xf32>
    %swap3A_82 = arith.constant 0 : index
    %swap3A_83 = arith.constant 0 : index
    %swap3A_84 = vector.load %arg15[%swap3A_82, %swap3A_83] : memref<1000x8xf32, #tpu.memory_space<vmem>>, vector<1000x8xf32>
    tpu.vector_store %arg15[%swap3A_82, %swap3A_83], %add3A_81 {strides = array<i32>} : memref<1000x8xf32, #tpu.memory_space<vmem>>, vector<1000x8xf32>,
    return
  }
  func.func @transform_0(%arg0: i32) -> (i32, i32) {
    %c0_i32 = arith.constant 0 : i32
    %c0_i32_0 = arith.constant 0 : i32
    return %arg0, %c0_i32 : i32, i32
  }
  func.func @transform_1(%arg0: i32) -> (i32, i32) {
    %c0_i32 = arith.constant 0 : i32
    %c0_i32_0 = arith.constant 0 : i32
    return %arg0, %c0_i32 : i32, i32
  }
  func.func @transform_2(%arg0: i32) -> (i32, i32) {
    %c0_i32 = arith.constant 0 : i32
    %c0_i32_0 = arith.constant 0 : i32
    return %arg0, %c0_i32 : i32, i32
  }
  func.func @transform_3(%arg0: i32) -> (i32, i32) {
    %c0_i32 = arith.constant 0 : i32
    %c0_i32_0 = arith.constant 0 : i32
    return %arg0, %c0_i32 : i32, i32
  }
  func.func @transform_4(%arg0: i32) -> (i32, i32) {
    %c0_i32 = arith.constant 0 : i32
    %c0_i32_0 = arith.constant 0 : i32
    return %arg0, %c0_i32 : i32, i32
  }
  func.func @transform_5(%arg0: i32) -> (i32, i32) {
    %c0_i32 = arith.constant 0 : i32
    %c0_i32_0 = arith.constant 0 : i32
    return %arg0, %c0_i32 : i32, i32
  }
  func.func @transform_6(%arg0: i32) -> (i32, i32) {
    %c0_i32 = arith.constant 0 : i32
    %c0_i32_0 = arith.constant 0 : i32
    %c0_i32_1 = arith.constant 0 : i32
    return %c0_i32, %c0_i32_0 : i32, i32
  }
  func.func @transform_7(%arg0: i32) -> (i32, i32) {
    %c0_i32 = arith.constant 0 : i32
    %c0_i32_0 = arith.constant 0 : i32
    %c0_i32_1 = arith.constant 0 : i32
    return %c0_i32, %c0_i32_0 : i32, i32
  }
  func.func @transform_8(%arg0: i32) -> i32 {
    %c0_i32 = arith.constant 0 : i32
    %c0_i32_0 = arith.constant 0 : i32
    return %c0_i32 : i32
  }
  func.func @transform_9(%arg0: i32) -> (i32, i32) {
    %c0_i32 = arith.constant 0 : i32
    %c0_i32_0 = arith.constant 0 : i32
    %c0_i32_1 = arith.constant 0 : i32
    return %c0_i32, %c0_i32_0 : i32, i32
  }
  func.func @transform_10(%arg0: i32) -> i32 {
    %c0_i32 = arith.constant 0 : i32
    %c0_i32_0 = arith.constant 0 : i32
    return %c0_i32 : i32
  }
  func.func @transform_11(%arg0: i32) -> i32 {
    %c0_i32 = arith.constant 0 : i32
    %c0_i32_0 = arith.constant 0 : i32
    return %c0_i32 : i32
  }
  func.func @transform_12(%arg0: i32) -> i32 {
    %c0_i32 = arith.constant 0 : i32
    %c0_i32_0 = arith.constant 0 : i32
    return %c0_i32 : i32
  }
  func.func @transform_13(%arg0: i32) -> (i32, i32) {
    %c0_i32 = arith.constant 0 : i32
    %c0_i32_0 = arith.constant 0 : i32
    return %arg0, %c0_i32 : i32, i32
  }
  func.func @transform_14(%arg0: i32) -> (i32, i32) {
    %c0_i32 = arith.constant 0 : i32
    %c0_i32_0 = arith.constant 0 : i32
    return %arg0, %c0_i32 : i32, i32
  }
}

</mosaic_0001>

<sc_bundles>
// kernel: kernel.10.cloned.1.call-start
scs
__scs_entry_jumppad:
0x0: {  	(pc) =	sbr.rel $0x88, $3  }
0x1: {  	(tag) =	ssettag $0x0;
	lr =	simm.s32 $0x1  }
0x2: {  	[smem:$0x3F8F] =	sst lr;
	_ =	strace $0xD0000000  }
0x3: {  	_ = 	snop  }
0x4: {  	_ = 	snop  }
0x5: {  	_ = 	snop  }
0x6: {  	_ = 	snop  }
0x7: {  	_ = 	snop  }
__scs_overlays_trampoline_lowered:
0x8: {  	[smem:$0x3F9E] =	sst s0  }
0x9: {  	[smem:$0x3F9F] =	sst s1  }
0xa: {  	[smem:$0x3FA0] =	sst s2  }
0xb: {  	[smem:$0x3FA1] =	sst s3  }
0xc: {  	[smem:$0x3FA2] =	sst s4  }
0xd: {  	[smem:$0x3FA3] =	sst s5  }
0xe: {  	[smem:$0x3FA4] =	sst s6  }
0xf: {  	[smem:$0x3FA5] =	sst s7  }
0x10: {  	[smem:$0x3FA6] =	sst s8  }
0x11: {  	[smem:$0x3FA7] =	sst s9;
	s0 =	simm.s32 @!p0 $0x0  }
0x12: {  	s1 =	sld [smem:$0x3F8D];
	s0 =	simm.s32 @p0 $0x1  }
0x13: {  	[smem:$0x3FA8] =	sst s0;
	s0 =	simm.s32 @!p1 $0x0  }
0x14: {  	s2 =	sld [smem:$0x3F8C];
	s0 =	simm.s32 @p1 $0x1  }
0x15: {  	[smem:$0x3FA9] =	sst s0;
	s0 =	simm.s32 @!p2 $0x0  }
0x16: {  	s3 =	sld [smem:$0x3FDB];
	s0 =	simm.s32 @p2 $0x1  }
0x17: {  	s4 =	simm.s32 $0x1BF5;
	[smem:$0x3FAB] =	sst s0  }
0x18: {  	s0 =	sld [smem:$0x3F8E];
	_ =	swait.ge [sflag:s4], $0x0  }
0x19: {  	s7 =	sld [smem:$0x3F8F]  }
0x1a: {  	s8 =	sadd.s32 $0xFFFFE003, lr  }
0x1b: {  	s9 =	sadd.s32 $0xFFFFFEF7, lr;
	s5 =	simm.s32 $0xFFFFFFFF;
	p2 =	slt.u32 s8, $0xFFFFF086  }
0x1c: {  	p1 =	slt.u32 s9, $0xF7A;
	s5 =	simm.s32 @!p2 $0x0  }
0x1d: {  	s5 =	simm.s32 @p1 $0x1;
	p0 =	seq.s32 s7, s2  }
0x1e: {  	s7 =	smul.u32 @!p0 $0xF7A, s2;
	p2 =	seq.s32 @!p0 s5, $0x0  }
0x1f: {  	s9 =	smul.u32 $0xF7A, s1;
	s8 =	simm.s32 @!p0 $0x1BF5;
	p2 =	por !p2, p0  }
0x20: {  	[sflag:s8] =	ssyncset.s32 @!p0 $0xFFFFF086;
	s6 =	sadd.s32 @!p0 s3, s7;
	s7 =	simm.s32 @!p0 $0x108  }
0x21: {  	s3 =	sadd.s32 s3, s9;
	s6 =	sadd.s32 @!p0 $0x88, s6;
	s7 =	simm.s32 @p2 $0x1082  }
0x22: {  	[simem:s7], [sflag:s8] =	dma.local @!p0 [hbm:s6], $0xF7A  }
0x23: {  	s9 =	sor.u32 $0xD0000000, s2;
	s6 =	simm.s32 $0x108;
	_ =	swait.ge @!p0 [sflag:s8], $0x0  }
0x24: {  	s3 =	sadd.s32 $0x88, s3;
	s6 =	simm.s32 @!p1 $0x1082;
	[sflag:s4] =	ssyncset.s32 $0xFFFFF086  }
0x25: {  	[simem:s6], [sflag:s4] =	dma.local [hbm:s3], $0xF7A  }
0x26: {  	[smem:$0x3F8F] =	sst s1;
	(tag) =	ssettag s2;
	_ =	strace s9  }
0x27: {  	s1 =	sld [smem:$0x3F9F]  }
0x28: {  	s2 =	sld [smem:$0x3FA0]  }
0x29: {  	s4 =	sld [smem:$0x3FA2]  }
0x2a: {  	p0 =	seq.s32 s5, $0x0;
	s5 =	sld [smem:$0x3FA3]  }
0x2b: {  	s6 =	sld [smem:$0x3FA4]  }
0x2c: {  	s7 =	sld [smem:$0x3FA5]  }
0x2d: {  	s3 =	simm.s32 $0x108;
	s8 =	sld [smem:$0x3FA6]  }
0x2e: {  	s3 =	simm.s32 @!p0 $0x1082;
	s9 =	sld [smem:$0x3FA7]  }
0x2f: {  	lr =	sadd.s32 s0, s3;
	s0 =	sld [smem:$0x3F9E]  }
0x30: {  	s3 =	sld [smem:$0x3FA1]  }
0x31: {  	[smem:$0x3FAA] =	sst s10  }
0x32: {  	s10 =	sld [smem:$0x3FA8];
	_ =	sdelay $0x3  }
0x33: {  	p0 =	seq.s32 s10, $0x1;
	s10 =	sld [smem:$0x3FAA];
	_ =	sdelay $0x3  }
0x34: {  	[smem:$0x3FAA] =	sst s10  }
0x35: {  	s10 =	sld [smem:$0x3FA9];
	_ =	sdelay $0x3  }
0x36: {  	p1 =	seq.s32 s10, $0x1;
	s10 =	sld [smem:$0x3FAA];
	_ =	sdelay $0x3  }
0x37: {  	[smem:$0x3FAA] =	sst s10  }
0x38: {  	s10 =	sld [smem:$0x3FAB]  }
0x39: {  	_ = 	snop;
	(pc) =	sbr.ind lr, $3  }
0x3a: {  	_ = 	snop  }
0x3b: {  	_ = 	snop  }
0x3c: {  	p2 =	seq.s32 s10, $0x1;
	s10 =	sld [smem:$0x3FAA]  }
0x3d: {  	_ =	shalt  }
0x3e: {  	_ =	shalt  }
0x3f: {  	_ =	shalt  }
0x40: {  	_ =	shalt  }
0x41: {  	_ =	shalt  }
0x42: {  	_ =	shalt  }
0x43: {  	_ =	shalt  }
0x44: {  	_ =	shalt  }
0x45: {  	_ =	shalt  }
0x46: {  	_ =	shalt  }
0x47: {  	_ =	shalt  }
0x48: {  	_ =	shalt  }
0x49: {  	_ =	shalt  }
0x4a: {  	_ =	shalt  }
0x4b: {  	_ =	shalt  }
0x4c: {  	_ =	shalt  }
0x4d: {  	_ =	shalt  }
0x4e: {  	_ =	shalt  }
0x4f: {  	_ =	shalt  }
0x50: {  	_ =	shalt  }
0x51: {  	_ =	shalt  }
0x52: {  	_ =	shalt  }
0x53: {  	_ =	shalt  }
0x54: {  	_ =	shalt  }
0x55: {  	_ =	shalt  }
0x56: {  	_ =	shalt  }
0x57: {  	_ =	shalt  }
0x58: {  	_ =	shalt  }
0x59: {  	_ =	shalt  }
0x5a: {  	_ =	shalt  }
0x5b: {  	_ =	shalt  }
0x5c: {  	_ =	shalt  }
0x5d: {  	_ =	shalt  }
0x5e: {  	_ =	shalt  }
0x5f: {  	_ =	shalt  }
0x60: {  	_ =	shalt  }
0x61: {  	_ =	shalt  }
0x62: {  	_ =	shalt  }
0x63: {  	_ =	shalt  }
0x64: {  	_ =	shalt  }
0x65: {  	_ =	shalt  }
0x66: {  	_ =	shalt  }
0x67: {  	_ =	shalt  }
0x68: {  	_ =	shalt  }
0x69: {  	_ =	shalt  }
0x6a: {  	_ =	shalt  }
0x6b: {  	_ =	shalt  }
0x6c: {  	_ =	shalt  }
0x6d: {  	_ =	shalt  }
0x6e: {  	_ =	shalt  }
0x6f: {  	_ =	shalt  }
0x70: {  	_ =	shalt  }
0x71: {  	_ =	shalt  }
0x72: {  	_ =	shalt  }
0x73: {  	_ =	shalt  }
0x74: {  	_ =	shalt  }
0x75: {  	_ =	shalt  }
0x76: {  	_ =	shalt  }
0x77: {  	_ =	shalt  }
0x78: {  	_ =	shalt  }
0x79: {  	_ =	shalt  }
0x7a: {  	_ =	shalt  }
0x7b: {  	_ =	shalt  }
0x7c: {  	_ =	shalt  }
0x7d: {  	_ =	shalt  }
0x7e: {  	_ =	shalt  }
0x7f: {  	_ =	shalt  }
0x80: {  	_ =	shalt  }
0x81: {  	_ =	shalt  }
0x82: {  	_ =	shalt  }
0x83: {  	_ =	shalt  }
0x84: {  	_ =	shalt  }
0x85: {  	_ =	shalt  }
0x86: {  	_ =	shalt  }
0x87: {  	_ =	shalt  }
.Lfunc_end0:
.L_simem_size_0:
called_computation.1_lowered:
.L_overlay_start_0:
0x88: {  	s2 =	sld [smem:$0x3FD9]  }
0x89: {  	s3 =	sld [smem:$0x3FFE];
	_ =	sdelay $0x1  }
0x8a: {  	s1 =	srdreg.scid  }
0x8b: {  	s0 =	sand.u32 $0x1, s1  }
0x8c: {  	s14 =	sshll.u32 s0, $0xA;
	s2 =	sadd.s32 s3, s2  }
0x8d: {  	s2 =	sadd.s32 s2, s14  }
0x8e: {  	[smem:$0x3FB6] =	sst s2  }
0x8f: {  	_ = 	snop  }
0x90: {  	s2 =	sld [smem:$0x3FD0];
	_ =	sdelay $0x2  }
0x91: {  	s15 =	simm.s32 $0xA;
	s4 =	simm.s32 $0x10  }
0x92: {  	[smem:s4], [sflag:s15] =	dma.local [hbm:s2], $0x1  }
0x93: {  	_ =	swait.eq [sflag:s15], $0x1  }
0x94: {  	[sflag:s15] =	ssyncset.done $0x0  }
0x95: {  	[sflag:s15] =	ssyncadd.s32 $0xFFFFFFFF  }
0x96: {  	s16 =	sld [smem:$0x11];
	(tm) =	ssettm $0x1  }
0x97: {  	s17 =	sld [smem:$0x3FFB];
	_ =	sdelay $0x3  }
0x98: {  	_ =	strace s17  }
0x99: {  	s3 =	sld [smem:$0x3FFC];
	_ =	sdelay $0x3  }
0x9a: {  	_ =	strace s3  }
0x9b: {  	s3 =	sld [smem:$0x3FFD];
	_ =	sdelay $0x3  }
0x9c: {  	_ =	strace s3  }
0x9d: {  	_ =	strace $0x8FFFFFFF  }
0x9e: {  	s18 =	sld [smem:$0x3FDB];
	_ =	sdelay $0x1  }
0x9f: {  	s19 =	simm.s32 $_scs_section_size  }
0xa0: {  	s5 =	simm.s32 $_size__tile_overlayer_lowered;
	s6 =	simm.s32 $_tile_overlayer_lowered  }
0xa1: {  	s22 =	simm.s32 $0x1BFF;
	s21 =	sshll.u32 s6, $0x1;
	s3 =	sadd.s32 s19, s18  }
0xa2: {  	s7 =	simm.s32 $0x0;
	s20 =	sshll.u32 s5, $0x1;
	s5 =	sadd.s32 s21, s3  }
0xa3: {  	[timem:s7], [sflag:s22] =	dma.local [hbm:s5], s20  }
0xa4: {  	_ =	swait.ge [sflag:s22], s20  }
0xa5: {  	s4 =	ssub.s32 $0x0, s20;
	[sflag:s22] =	ssyncset.done $0x0  }
0xa6: {  	[sflag:s22] =	ssyncadd.s32 s4;
	_ =	sdelay $0x1  }
0xa7: {  	s23 =	simm.s32 $0x1B8B  }
0xa8: {  	_ =	swait.ge [sflag:s23], $0x1  }
0xa9: {  	[sflag:s23] =	ssyncset.done $0x0  }
0xaa: {  	s25 =	simm.s32 $0x1B8E;
	s24 =	sld [smem:$0x3FFE];
	[sflag:s23] =	ssyncadd.s32 $0xFFFFFFFF  }
0xab: {  	s26 =	simm.s32 $execute0_lowered;
	[smem:$0x3FD2] =	sst s25  }
0xac: {  	s5 =	sshll.u32 s26, $0x1;
	_ =	strace $0x80000049;
	[dreg:$0x1] =	wrdreg $0xFFFFFFFF  }
0xad: {  	s28 =	simm.s32 $_size_execute0_lowered;
	s3 =	sadd.s32 s3, s5;
	[dreg:$0x0] =	wrdreg $0x0  }
0xae: {  	s5 =	sshll.u32 s28, $0x1;
	[dreg:$0x2] =	wrdreg s3  }
0xaf: {  	[dreg:$0x3] =	wrdreg s5  }
0xb0: {  	[dreg:$0x4] =	wrdreg $0xC0  }
0xb1: {  	_ =	task [dreg:s7], $0x5FFFF  }
0xb2: {  	[dreg:$0x1] =	wrdreg $0xFFFFFFFF  }
0xb3: {  	[dreg:$0x0] =	wrdreg $0x60  }
0xb4: {  	[dreg:$0x2] =	wrdreg s24  }
0xb5: {  	[dreg:$0x3] =	wrdreg s16  }
0xb6: {  	[dreg:$0x4] =	wrdreg $0x44800  }
0xb7: {  	[dreg:$0x5] =	wrdreg $0x17D000  }
0xb8: {  	[dreg:$0x6] =	wrdreg $0x9  }
0xb9: {  	_ =	task.clear_ibuf [dreg:s7], $0x7FFFF;
	_ =	strace $0x90000049  }
0xba: {  	s29 =	simm.s32 $0x9;
	_ =	strace $0x8000004B  }
0xbb: {  	_ =	swait.ge [sflag:s29], $0x1  }
0xbc: {  	[sflag:s29] =	ssyncadd.s32 $0xFFFFFFFF  }
0xbd: {  	_ =	strace $0x9000004B  }
0xbe: {  	_ =	sfence  }
0xbf: {  	s30 =	sld [smem:$0x0];
	_ =	sdelay $0x2  }
0xc0: {  	s31 =	sshll.u32 s1, $0xD;
	s1 =	sshrl.u32 s1, $0x2  }
0xc1: {  	s3 =	sand.u32 $0x4000, s31;
	s1 =	sadd.s32 s1, s30  }
0xc2: {  	s0 =	sor.u32 s3, s0;
	s1 =	sshll.u32 s1, $0x11  }
0xc3: {  	s0 =	sor.u32 s1, s0  }
0xc4: {  	s0 =	sadd.s32 $0x8F2B, s0  }
0xc5: {  	[sflag:s0] =	ssyncadd.remote.s32 $0x1  }
0xc6: {  	_ =	sfence.sel $0xFFFF  }
0xc7: {  	[dreg:$0x0] =	wrdreg $0xFFFFFFFF;
	(pc) =	sbr.abs _section_cstart, $3  }
0xc8: {  	[dreg:$0x1] =	wrdreg $0xFFFFFFFF  }
0xc9: {  	_ =	task.clear_ibuf [dreg:s7], $0x2FFFF;
	_ =	strace $0x9FFFFFFF  }
0xca: {  	(tm) =	ssettm $0x7FFFFFFF  }
0xcb: {  	_ =	shalt  }
tec
execute0_lowered:
.L_overlay_start_1:
0x0: {  	(tag) =	ssettag $0x1  }
0x1: {  	s7 =	rddreg [dreg:$0x0]  }
0x2: {  	s2 =	rddreg [dreg:$0x1]  }
0x3: {  	s3 =	rddreg [dreg:$0x2]  }
0x4: {  	s4 =	rddreg [dreg:$0x3]  }
0x5: {  	s0 =	rddreg [dreg:$0x4];
	s6 =	srdreg.scid  }
0x6: {  	s1 =	stileid.u32;
	s5 =	simm.s32 $0x0;
	s11 =	sand.u32 $0x1, s6  }
0x7: {  	s8 =	smul.u32 $0x13880, s1;
	[smem:$0x7FF] =	sst s5;
	s25 =	sshll.u32 s1, $0xC  }
0x8: {  	s10 =	smul.u32 $0x1388, s1;
	s12 =	sshll.u32 s1, $0x8;
	s13 =	sshll.u32 s1, $0x5  }
0x9: {  	s6 =	sadd.s32 $0x6C00, s7;
	s17 =	sshll.u32 s1, $0x6;
	s9 =	smul.u32 $0x138800, s11  }
0xa: {  	_ =	strace $0x8000004A;
	s14 =	smul.u32 $0x13880, s11;
	s15 =	sadd.s32 s25, s7  }
0xb: {  	s12 =	sadd.s32 s12, s7;
	s13 =	sadd.s32 s13, s7;
	s16 =	ssub.s32 $0x2, s11  }
0xc: {  	s29 =	sshll.u32 s11, $0x7;
	s30 =	sshll.u32 s11, $0xB;
	s19 =	sshll.u32 s11, $0x4  }
0xd: {  	s26 =	sshrl.u32 s16, $0x1;
	s18 =	sadd.s32 s8, s3;
	s28 =	sadd.s32 s10, s4  }
0xe: {  	s12 =	sadd.s32 s29, s12;
	s31 =	sadd.s32 s19, s13;
	s9 =	sadd.s32 s8, s9  }
0xf: {  	s14 =	sadd.s32 s10, s14;
	s16 =	ssub.s32 s16, s26;
	s8 =	sor.u32 $0x1C01, s17  }
0x10: {  	s12 =	sadd.s32 $0x1A800, s12;
	s17 =	sshrl.u32 s28, $0x3;
	s9 =	sshrl.u32 s9, $0x3  }
0x11: {  	s14 =	sshrl.u32 s14, $0x3;
	s11 =	smax.u32 s16, $0x1;
	s16 =	simm.s32 $0x1  }
0x12: {  	s9 =	sadd.s32 s9, s7;
	s14 =	sadd.s32 s14, s7;
	s7 =	sshll.u32 s1, $0x1  }
0x13: {  	s9 =	sadd.s32 $0x68A00, s9;
	s10 =	sadd.s32 $0x9400, s14;
	s14 =	sadd.s32 s30, s15  }
0x14: {  	s15 =	sshrl.u32 s18, $0x3;
	s13 =	sadd.s32 $0x1E53800, s14;
	s14 =	sadd.s32 $0x10A00, s31  }
.LBB2_1:
0x15: {  	[spmem:s15], [sflag:s8] =	dma.local [hbm:s6], $0x2710  }
0x16: {  	_ =	swait.ge [sflag:s16], $0x2710  }
0x17: {  	[sflag:s16] =	ssyncset.done $0x0  }
0x18: {  	[sflag:s16] =	ssyncadd.s32 $0xFFFFD8F0  }
0x19: {  	[spmem:s17], [sflag:s8] =	dma.local [hbm:s2], $0x271  }
0x1a: {  	_ =	swait.ge [sflag:s16], $0x271  }
0x1b: {  	s18 =	sadd.s32 $0x0, s7;
	[sflag:s16] =	ssyncset.done $0x0  }
0x1c: {  	p0 =	sgt.u32 s18, $0x9C3;
	[sflag:s16] =	ssyncadd.s32 $0xFFFFFD8F  }
0x1d: {  	s18 =	simm.s32 @!p0 $0x0;
	s19 =	simm.s32 @!p0 $0x2;
	[bflag:$0x0] =	sbarrier.arrive $0xFFFF  }
0x1e: {  	[tilespmem:s18], [sflag:$0x2] =	stream.linear.gather @!p0 [hbm4b:s14+s18], $0x80, $0x38;
	[tilespmem:$0x19088] =	vst v63  }
0x1f: {  	_ =	swait.ge @!p0 [sflag:s19], $0x80  }
0x20: {  	[sflag:s19] =	ssyncset.done @!p0 $0x0;
	p0 =	por p0, p0  }
0x21: {  	[sflag:s19] =	ssyncadd.s32 @!p0 $0xFFFFFF80;
	s23 =	simm.s32 @!p0 $0x80  }
0x22: {  	[tilespmem:s23], [sflag:$0x2] =	stream.linear.gather @!p0 [hbm4b:s13+s18], $0x4000, $0x38;
	[tilespmem:$0x19088] =	vst v63  }
0x23: {  	_ =	swait.ge @!p0 [sflag:s19], $0x4000  }
0x24: {  	[sflag:s19] =	ssyncset.done @!p0 $0x0  }
0x25: {  	s24 =	simm.s32 @!p0 $0x4080;
	[sflag:s19] =	ssyncadd.s32 @!p0 $0xFFFFC000  }
0x26: {  	[tilespmem:s24], [sflag:$0x2] =	stream.linear.gather @!p0 [hbm4b:s12+s18], $0x400, $0x38;
	[tilespmem:$0x19088] =	vst v63  }
0x27: {  	_ =	swait.ge @!p0 [sflag:s19], $0x400  }
0x28: {  	[sflag:s19] =	ssyncset.done @!p0 $0x0  }
0x29: {  	[sflag:s19] =	ssyncadd.s32 @!p0 $0xFFFFFC00  }
0x2a: {  	[spmem:s3] =	stream.indirect.scatter.add.f32 @!p0 [tilespmem:s23], [sflag:$0x2], $0x80, s18, s23, $0xb8;
	[tilespmem:$0x19088] =	vst v63  }
0x2b: {  	_ =	swait.ge @!p0 [sflag:s19], $0x4000  }
0x2c: {  	s21 =	simm.s32 $0x40;
	[sflag:s19] =	ssyncset.done @!p0 $0x0  }
0x2d: {  	s31 =	sadd.s32 $0x20, s7;
	s22 =	simm.s32 @!p0 $0x1;
	[sflag:s19] =	ssyncadd.s32 @!p0 $0xFFFFC000  }
0x2e: {  	[spmem:s4] =	stream.indirect.scatter.add.f32 @!p0 [tilespmem:s24], [sflag:$0x1], $0x8, s18, s23, $0xb8;
	[tilespmem:$0x19088] =	vst v63  }
0x2f: {  	s20 =	sadd.s32 $0x200, s14;
	p2 =	sgt.u32 s31, $0x9C3;
	_ =	swait.ge @!p0 [sflag:s22], $0x400  }
0x30: {  	s19 =	sadd.s32 $0x10000, s13;
	s18 =	sadd.s32 $0x1000, s12;
	[sflag:s22] =	ssyncset.done @!p0 $0x0  }
.LBB2_2:
0x31: {  	s23 =	simm.s32 @!p2 $0x0;
	s24 =	simm.s32 @!p2 $0x2;
	[sflag:s22] =	ssyncadd.s32 @!p0 $0xFFFFFC00  }
0x32: {  	[tilespmem:s23], [sflag:$0x2] =	stream.linear.gather @!p2 [hbm4b:s20+s23], $0x80, $0x38;
	[tilespmem:$0x19088] =	vst v63  }
0x33: {  	s25 =	smov.u32 s21;
	s21 =	sadd.s32 $0x20, s21;
	_ =	swait.ge @!p2 [sflag:s24], $0x80  }
0x34: {  	p0 =	por p2, p2;
	p1 =	sne.s32 s21, $0x9E0;
	[sflag:s24] =	ssyncset.done @!p2 $0x0  }
0x35: {  	s26 =	simm.s32 @!p0 $0x80;
	[sflag:s24] =	ssyncadd.s32 @!p0 $0xFFFFFF80  }
0x36: {  	[tilespmem:s26], [sflag:$0x2] =	stream.linear.gather @!p0 [hbm4b:s19+s23], $0x4000, $0x38;
	[tilespmem:$0x19088] =	vst v63  }
0x37: {  	_ =	swait.ge @!p0 [sflag:s24], $0x4000  }
0x38: {  	[sflag:s24] =	ssyncset.done @!p0 $0x0  }
0x39: {  	s28 =	simm.s32 @!p0 $0x4080;
	[sflag:s24] =	ssyncadd.s32 @!p0 $0xFFFFC000  }
0x3a: {  	[tilespmem:s28], [sflag:$0x2] =	stream.linear.gather @!p0 [hbm4b:s18+s23], $0x400, $0x38;
	[tilespmem:$0x19088] =	vst v63  }
0x3b: {  	_ =	swait.ge @!p0 [sflag:s24], $0x400  }
0x3c: {  	[sflag:s24] =	ssyncset.done @!p0 $0x0  }
0x3d: {  	[sflag:s24] =	ssyncadd.s32 @!p0 $0xFFFFFC00  }
0x3e: {  	[spmem:s3] =	stream.indirect.scatter.add.f32 @!p0 [tilespmem:s26], [sflag:$0x2], $0x80, s23, s26, $0xb8;
	[tilespmem:$0x19088] =	vst v63  }
0x3f: {  	_ =	swait.ge @!p0 [sflag:s24], $0x4000  }
.Ltmp0:
0x40: {  	[sflag:s24] =	ssyncset.done @!p0 $0x0;
	(pc) =	sbr.rel @p1 .LBB2_2-.Ltmp0, $4  }
0x41: {  	s22 =	simm.s32 @!p0 $0x1;
	s20 =	sadd.s32 $0x200, s20;
	[sflag:s24] =	ssyncadd.s32 @!p0 $0xFFFFC000  }
0x42: {  	[spmem:s4] =	stream.indirect.scatter.add.f32 @!p0 [tilespmem:s28], [sflag:$0x1], $0x8, s23, s26, $0xb8;
	[tilespmem:$0x19088] =	vst v63  }
0x43: {  	s19 =	sadd.s32 $0x10000, s19;
	s23 =	sadd.s32 s25, s7;
	_ =	swait.ge @!p0 [sflag:s22], $0x400  }
0x44: {  	s18 =	sadd.s32 $0x1000, s18;
	p2 =	sgt.u32 s23, $0x9C3;
	[sflag:s22] =	ssyncset.done @!p0 $0x0  }
0x45: {  	s21 =	simm.s32 @!p2 $0x0;
	s23 =	simm.s32 @!p2 $0x2;
	[sflag:s22] =	ssyncadd.s32 @!p0 $0xFFFFFC00  }
0x46: {  	[tilespmem:s21], [sflag:$0x2] =	stream.linear.gather @!p2 [hbm4b:s20+s21], $0x80, $0x38;
	[tilespmem:$0x19088] =	vst v63  }
0x47: {  	_ =	swait.ge @!p2 [sflag:s23], $0x80  }
0x48: {  	p0 =	por p2, p2;
	[sflag:s23] =	ssyncset.done @!p2 $0x0  }
0x49: {  	s20 =	simm.s32 @!p0 $0x80;
	[sflag:s23] =	ssyncadd.s32 @!p0 $0xFFFFFF80  }
0x4a: {  	[tilespmem:s20], [sflag:$0x2] =	stream.linear.gather @!p0 [hbm4b:s19+s21], $0x4000, $0x38;
	[tilespmem:$0x19088] =	vst v63  }
0x4b: {  	_ =	swait.ge @!p0 [sflag:s23], $0x4000  }
0x4c: {  	[sflag:s23] =	ssyncset.done @!p0 $0x0  }
0x4d: {  	s19 =	simm.s32 @!p0 $0x4080;
	[sflag:s23] =	ssyncadd.s32 @!p0 $0xFFFFC000  }
0x4e: {  	[tilespmem:s19], [sflag:$0x2] =	stream.linear.gather @!p0 [hbm4b:s18+s21], $0x400, $0x38;
	[tilespmem:$0x19088] =	vst v63  }
0x4f: {  	_ =	swait.ge @!p0 [sflag:s23], $0x400  }
0x50: {  	[sflag:s23] =	ssyncset.done @!p0 $0x0  }
0x51: {  	[sflag:s23] =	ssyncadd.s32 @!p0 $0xFFFFFC00  }
0x52: {  	[spmem:s3] =	stream.indirect.scatter.add.f32 @!p0 [tilespmem:s20], [sflag:$0x2], $0x80, s21, s20, $0xb8;
	[tilespmem:$0x19088] =	vst v63  }
0x53: {  	_ =	swait.ge @!p0 [sflag:s23], $0x4000  }
0x54: {  	[sflag:s23] =	ssyncset.done @!p0 $0x0  }
0x55: {  	s18 =	simm.s32 @!p0 $0x1;
	[sflag:s23] =	ssyncadd.s32 @!p0 $0xFFFFC000  }
0x56: {  	[spmem:s4] =	stream.indirect.scatter.add.f32 @!p0 [tilespmem:s19], [sflag:$0x1], $0x8, s21, s20, $0xb8;
	[tilespmem:$0x19088] =	vst v63  }
0x57: {  	_ =	swait.ge @!p0 [sflag:s18], $0x400  }
0x58: {  	[sflag:s18] =	ssyncset.done @!p0 $0x0  }
0x59: {  	[sflag:s18] =	ssyncadd.s32 @!p0 $0xFFFFFC00  }
0x5a: {  	[bflag:$0x0] =	sbarrier.arrive $0xFFFF  }
0x5b: {  	[hbm:s9], [sflag:s8] =	dma.local [spmem:s15], $0x2710  }
0x5c: {  	s5 =	sadd.s32 $0x1, s5;
	_ =	swait.ge [sflag:s16], $0x2710  }
0x5d: {  	p0 =	sne.s32 s5, s11;
	[sflag:s16] =	ssyncset.done $0x0  }
.Ltmp1:
0x5e: {  	[sflag:s16] =	ssyncadd.s32 $0xFFFFD8F0;
	(pc) =	sbr.rel @p0 .LBB2_1-.Ltmp1, $4  }
0x5f: {  	[hbm:s10], [sflag:s8] =	dma.local [spmem:s17], $0x271  }
0x60: {  	_ =	swait.ge [sflag:s16], $0x271  }
0x61: {  	[sflag:s16] =	ssyncset.done $0x0  }
0x62: {  	[sflag:s16] =	ssyncadd.s32 $0xFFFFFD8F  }
0x63: {  	_ =	sfence.sel $0x180000  }
0x64: {  	[bflag:$0x0] =	sbarrier.arrive $0xFFFF  }
0x65: {  	p0 =	sne.s32 s1, $0x0;
	_ =	strace $0x9000004A  }
0x66: {  	s0 =	sadd.s32 @!p0 $0x100000, s0;
	[bflag:$0x2] =	sbarrier.arrive $0xFFFF  }
0x67: {  	[sflag:s0] =	ssyncadd.tile.s32 @!p0 $0x1;
	_ =	shalt  }
.Lfunc_end2:
_tile_overlayer_lowered:
.L_overlay_start_2:
0x68: {  	(tag) =	ssettag $0x2  }
0x69: {  	s0 =	rddreg [dreg:$0x0];
	s2 =	stileid.u32  }
0x6a: {  	s1 =	rddreg [dreg:$0x1];
	p0 =	sne.s32 s2, $0x0  }
0x6b: {  	s3 =	rddreg [dreg:$0x2];
	[bflag:$0x3] =	sbarrier.arrive $0xFFFF;
	s2 =	simm.s32 @!p0 $0x1C01  }
0x6c: {  	[timem:s3], [sflag:s2] =	dma.local @!p0 [hbm:s0], s1  }
0x6d: {  	s0 =	simm.s32 @!p0 $0x1  }
0x6e: {  	_ =	swait.ge @!p0 [sflag:s0], s1  }
0x6f: {  	s1 =	ssub.s32 @!p0 $0x0, s1;
	[sflag:s0] =	ssyncset.done @!p0 $0x0  }
0x70: {  	[sflag:s0] =	ssyncadd.s32 @!p0 s1  }
0x71: {  	[bflag:$0x3] =	sbarrier.arrive $0xFFFF  }
0x72: {  	_ =	shalt  }

// kernel: kernel.7.cloned.1.call-start
scs
__scs_entry_jumppad:
0x0: {  	(pc) =	sbr.rel $0x88, $3  }
0x1: {  	(tag) =	ssettag $0x0;
	lr =	simm.s32 $0x1  }
0x2: {  	[smem:$0x3F8F] =	sst lr;
	_ =	strace $0xD0000000  }
0x3: {  	_ = 	snop  }
0x4: {  	_ = 	snop  }
0x5: {  	_ = 	snop  }
0x6: {  	_ = 	snop  }
0x7: {  	_ = 	snop  }
__scs_overlays_trampoline_lowered:
0x8: {  	[smem:$0x3F9E] =	sst s0  }
0x9: {  	[smem:$0x3F9F] =	sst s1  }
0xa: {  	[smem:$0x3FA0] =	sst s2  }
0xb: {  	[smem:$0x3FA1] =	sst s3  }
0xc: {  	[smem:$0x3FA2] =	sst s4  }
0xd: {  	[smem:$0x3FA3] =	sst s5  }
0xe: {  	[smem:$0x3FA4] =	sst s6  }
0xf: {  	[smem:$0x3FA5] =	sst s7  }
0x10: {  	[smem:$0x3FA6] =	sst s8  }
0x11: {  	[smem:$0x3FA7] =	sst s9;
	s0 =	simm.s32 @!p0 $0x0  }
0x12: {  	s1 =	sld [smem:$0x3F8D];
	s0 =	simm.s32 @p0 $0x1  }
0x13: {  	[smem:$0x3FA8] =	sst s0;
	s0 =	simm.s32 @!p1 $0x0  }
0x14: {  	s2 =	sld [smem:$0x3F8C];
	s0 =	simm.s32 @p1 $0x1  }
0x15: {  	[smem:$0x3FA9] =	sst s0;
	s0 =	simm.s32 @!p2 $0x0  }
0x16: {  	s3 =	sld [smem:$0x3FDB];
	s0 =	simm.s32 @p2 $0x1  }
0x17: {  	s4 =	simm.s32 $0x1BF5;
	[smem:$0x3FAB] =	sst s0  }
0x18: {  	s0 =	sld [smem:$0x3F8E];
	_ =	swait.ge [sflag:s4], $0x0  }
0x19: {  	s7 =	sld [smem:$0x3F8F]  }
0x1a: {  	s8 =	sadd.s32 $0xFFFFE003, lr  }
0x1b: {  	s9 =	sadd.s32 $0xFFFFFEF7, lr;
	s5 =	simm.s32 $0xFFFFFFFF;
	p2 =	slt.u32 s8, $0xFFFFF086  }
0x1c: {  	p1 =	slt.u32 s9, $0xF7A;
	s5 =	simm.s32 @!p2 $0x0  }
0x1d: {  	s5 =	simm.s32 @p1 $0x1;
	p0 =	seq.s32 s7, s2  }
0x1e: {  	s7 =	smul.u32 @!p0 $0xF7A, s2;
	p2 =	seq.s32 @!p0 s5, $0x0  }
0x1f: {  	s9 =	smul.u32 $0xF7A, s1;
	s8 =	simm.s32 @!p0 $0x1BF5;
	p2 =	por !p2, p0  }
0x20: {  	[sflag:s8] =	ssyncset.s32 @!p0 $0xFFFFF086;
	s6 =	sadd.s32 @!p0 s3, s7;
	s7 =	simm.s32 @!p0 $0x108  }
0x21: {  	s3 =	sadd.s32 s3, s9;
	s6 =	sadd.s32 @!p0 $0x88, s6;
	s7 =	simm.s32 @p2 $0x1082  }
0x22: {  	[simem:s7], [sflag:s8] =	dma.local @!p0 [hbm:s6], $0xF7A  }
0x23: {  	s9 =	sor.u32 $0xD0000000, s2;
	s6 =	simm.s32 $0x108;
	_ =	swait.ge @!p0 [sflag:s8], $0x0  }
0x24: {  	s3 =	sadd.s32 $0x88, s3;
	s6 =	simm.s32 @!p1 $0x1082;
	[sflag:s4] =	ssyncset.s32 $0xFFFFF086  }
0x25: {  	[simem:s6], [sflag:s4] =	dma.local [hbm:s3], $0xF7A  }
0x26: {  	[smem:$0x3F8F] =	sst s1;
	(tag) =	ssettag s2;
	_ =	strace s9  }
0x27: {  	s1 =	sld [smem:$0x3F9F]  }
0x28: {  	s2 =	sld [smem:$0x3FA0]  }
0x29: {  	s4 =	sld [smem:$0x3FA2]  }
0x2a: {  	p0 =	seq.s32 s5, $0x0;
	s5 =	sld [smem:$0x3FA3]  }
0x2b: {  	s6 =	sld [smem:$0x3FA4]  }
0x2c: {  	s7 =	sld [smem:$0x3FA5]  }
0x2d: {  	s3 =	simm.s32 $0x108;
	s8 =	sld [smem:$0x3FA6]  }
0x2e: {  	s3 =	simm.s32 @!p0 $0x1082;
	s9 =	sld [smem:$0x3FA7]  }
0x2f: {  	lr =	sadd.s32 s0, s3;
	s0 =	sld [smem:$0x3F9E]  }
0x30: {  	s3 =	sld [smem:$0x3FA1]  }
0x31: {  	[smem:$0x3FAA] =	sst s10  }
0x32: {  	s10 =	sld [smem:$0x3FA8];
	_ =	sdelay $0x3  }
0x33: {  	p0 =	seq.s32 s10, $0x1;
	s10 =	sld [smem:$0x3FAA];
	_ =	sdelay $0x3  }
0x34: {  	[smem:$0x3FAA] =	sst s10  }
0x35: {  	s10 =	sld [smem:$0x3FA9];
	_ =	sdelay $0x3  }
0x36: {  	p1 =	seq.s32 s10, $0x1;
	s10 =	sld [smem:$0x3FAA];
	_ =	sdelay $0x3  }
0x37: {  	[smem:$0x3FAA] =	sst s10  }
0x38: {  	s10 =	sld [smem:$0x3FAB]  }
0x39: {  	_ = 	snop;
	(pc) =	sbr.ind lr, $3  }
0x3a: {  	_ = 	snop  }
0x3b: {  	_ = 	snop  }
0x3c: {  	p2 =	seq.s32 s10, $0x1;
	s10 =	sld [smem:$0x3FAA]  }
0x3d: {  	_ =	shalt  }
0x3e: {  	_ =	shalt  }
0x3f: {  	_ =	shalt  }
0x40: {  	_ =	shalt  }
0x41: {  	_ =	shalt  }
0x42: {  	_ =	shalt  }
0x43: {  	_ =	shalt  }
0x44: {  	_ =	shalt  }
0x45: {  	_ =	shalt  }
0x46: {  	_ =	shalt  }
0x47: {  	_ =	shalt  }
0x48: {  	_ =	shalt  }
0x49: {  	_ =	shalt  }
0x4a: {  	_ =	shalt  }
0x4b: {  	_ =	shalt  }
0x4c: {  	_ =	shalt  }
0x4d: {  	_ =	shalt  }
0x4e: {  	_ =	shalt  }
0x4f: {  	_ =	shalt  }
0x50: {  	_ =	shalt  }
0x51: {  	_ =	shalt  }
0x52: {  	_ =	shalt  }
0x53: {  	_ =	shalt  }
0x54: {  	_ =	shalt  }
0x55: {  	_ =	shalt  }
0x56: {  	_ =	shalt  }
0x57: {  	_ =	shalt  }
0x58: {  	_ =	shalt  }
0x59: {  	_ =	shalt  }
0x5a: {  	_ =	shalt  }
0x5b: {  	_ =	shalt  }
0x5c: {  	_ =	shalt  }
0x5d: {  	_ =	shalt  }
0x5e: {  	_ =	shalt  }
0x5f: {  	_ =	shalt  }
0x60: {  	_ =	shalt  }
0x61: {  	_ =	shalt  }
0x62: {  	_ =	shalt  }
0x63: {  	_ =	shalt  }
0x64: {  	_ =	shalt  }
0x65: {  	_ =	shalt  }
0x66: {  	_ =	shalt  }
0x67: {  	_ =	shalt  }
0x68: {  	_ =	shalt  }
0x69: {  	_ =	shalt  }
0x6a: {  	_ =	shalt  }
0x6b: {  	_ =	shalt  }
0x6c: {  	_ =	shalt  }
0x6d: {  	_ =	shalt  }
0x6e: {  	_ =	shalt  }
0x6f: {  	_ =	shalt  }
0x70: {  	_ =	shalt  }
0x71: {  	_ =	shalt  }
0x72: {  	_ =	shalt  }
0x73: {  	_ =	shalt  }
0x74: {  	_ =	shalt  }
0x75: {  	_ =	shalt  }
0x76: {  	_ =	shalt  }
0x77: {  	_ =	shalt  }
0x78: {  	_ =	shalt  }
0x79: {  	_ =	shalt  }
0x7a: {  	_ =	shalt  }
0x7b: {  	_ =	shalt  }
0x7c: {  	_ =	shalt  }
0x7d: {  	_ =	shalt  }
0x7e: {  	_ =	shalt  }
0x7f: {  	_ =	shalt  }
0x80: {  	_ =	shalt  }
0x81: {  	_ =	shalt  }
0x82: {  	_ =	shalt  }
0x83: {  	_ =	shalt  }
0x84: {  	_ =	shalt  }
0x85: {  	_ =	shalt  }
0x86: {  	_ =	shalt  }
0x87: {  	_ =	shalt  }
.Lfunc_end0:
.L_simem_size_0:
called_computation_lowered:
.L_overlay_start_0:
0x88: {  	s2 =	sld [smem:$0x3FD9]  }
0x89: {  	s3 =	sld [smem:$0x3FFE];
	_ =	sdelay $0x1  }
0x8a: {  	s1 =	srdreg.scid  }
0x8b: {  	s0 =	sand.u32 $0x1, s1  }
0x8c: {  	s16 =	sshll.u32 s0, $0xA;
	s2 =	sadd.s32 s3, s2  }
0x8d: {  	s2 =	sadd.s32 s2, s16  }
0x8e: {  	[smem:$0x3FB6] =	sst s2  }
0x8f: {  	_ = 	snop  }
0x90: {  	(tm) =	ssettm $0x1  }
0x91: {  	s17 =	sld [smem:$0x3FFB];
	_ =	sdelay $0x3  }
0x92: {  	_ =	strace s17  }
0x93: {  	s2 =	sld [smem:$0x3FFC];
	_ =	sdelay $0x3  }
0x94: {  	_ =	strace s2  }
0x95: {  	s2 =	sld [smem:$0x3FFD];
	_ =	sdelay $0x3  }
0x96: {  	_ =	strace s2  }
0x97: {  	_ =	strace $0x8FFFFFFF  }
0x98: {  	s18 =	sld [smem:$0x3FDB];
	_ =	sdelay $0x1  }
0x99: {  	s19 =	simm.s32 $_scs_section_size  }
0x9a: {  	s4 =	simm.s32 $_size__tile_overlayer_lowered;
	s5 =	simm.s32 $_tile_overlayer_lowered  }
0x9b: {  	s22 =	simm.s32 $0x1BFF;
	s21 =	sshll.u32 s5, $0x1;
	s2 =	sadd.s32 s19, s18  }
0x9c: {  	s6 =	simm.s32 $0x0;
	s20 =	sshll.u32 s4, $0x1;
	s4 =	sadd.s32 s21, s2  }
0x9d: {  	[timem:s6], [sflag:s22] =	dma.local [hbm:s4], s20  }
0x9e: {  	_ =	swait.ge [sflag:s22], s20  }
0x9f: {  	s3 =	ssub.s32 $0x0, s20;
	[sflag:s22] =	ssyncset.done $0x0  }
0xa0: {  	[sflag:s22] =	ssyncadd.s32 s3;
	_ =	sdelay $0x1  }
0xa1: {  	s23 =	simm.s32 $0x1B8B  }
0xa2: {  	_ =	swait.ge [sflag:s23], $0x1  }
0xa3: {  	[sflag:s23] =	ssyncset.done $0x0  }
0xa4: {  	s25 =	simm.s32 $0x1B8E;
	s24 =	sld [smem:$0x3FFE];
	[sflag:s23] =	ssyncadd.s32 $0xFFFFFFFF  }
0xa5: {  	s26 =	simm.s32 $execute0_lowered;
	[smem:$0x3FD2] =	sst s25  }
0xa6: {  	s4 =	sshll.u32 s26, $0x1;
	_ =	strace $0x80000046;
	[dreg:$0x1] =	wrdreg $0xFFFFFFFF  }
0xa7: {  	s28 =	simm.s32 $_size_execute0_lowered;
	s2 =	sadd.s32 s2, s4;
	[dreg:$0x0] =	wrdreg $0x0  }
0xa8: {  	s4 =	sshll.u32 s28, $0x1;
	[dreg:$0x2] =	wrdreg s2  }
0xa9: {  	[dreg:$0x3] =	wrdreg s4  }
0xaa: {  	[dreg:$0x4] =	wrdreg $0xC0  }
0xab: {  	_ =	task [dreg:s6], $0x5FFFF  }
0xac: {  	[dreg:$0x1] =	wrdreg $0xFFFFFFFF  }
0xad: {  	[dreg:$0x0] =	wrdreg $0x60  }
0xae: {  	[dreg:$0x2] =	wrdreg s24  }
0xaf: {  	[dreg:$0x3] =	wrdreg $0x9  }
0xb0: {  	_ =	task.clear_ibuf [dreg:s6], $0x4FFFF;
	_ =	strace $0x90000046  }
0xb1: {  	s29 =	simm.s32 $0x9;
	_ =	strace $0x80000048  }
0xb2: {  	_ =	swait.ge [sflag:s29], $0x1  }
0xb3: {  	[sflag:s29] =	ssyncadd.s32 $0xFFFFFFFF  }
0xb4: {  	_ =	strace $0x90000048  }
0xb5: {  	_ =	sfence  }
0xb6: {  	s30 =	sld [smem:$0x0];
	_ =	sdelay $0x2  }
0xb7: {  	s31 =	sshll.u32 s1, $0xD;
	s1 =	sshrl.u32 s1, $0x2  }
0xb8: {  	s3 =	sand.u32 $0x4000, s31;
	s1 =	sadd.s32 s1, s30  }
0xb9: {  	s0 =	sor.u32 s3, s0;
	s1 =	sshll.u32 s1, $0x11  }
0xba: {  	s0 =	sor.u32 s1, s0  }
0xbb: {  	s0 =	sadd.s32 $0x8F2B, s0  }
0xbc: {  	[sflag:s0] =	ssyncadd.remote.s32 $0x1  }
0xbd: {  	_ =	sfence.sel $0xFFFF  }
0xbe: {  	[dreg:$0x0] =	wrdreg $0xFFFFFFFF;
	(pc) =	sbr.abs _section_cstart, $3  }
0xbf: {  	[dreg:$0x1] =	wrdreg $0xFFFFFFFF  }
0xc0: {  	_ =	task.clear_ibuf [dreg:s6], $0x2FFFF;
	_ =	strace $0x9FFFFFFF  }
0xc1: {  	(tm) =	ssettm $0x7FFFFFFF  }
tec
execute0_lowered:
.L_overlay_start_1:
0x0: {  	(tag) =	ssettag $0x1  }
0x1: {  	s0 =	rddreg [dreg:$0x0]  }
0x2: {  	s2 =	simm.s32 $0x0;
	s10 =	stileid.u32;
	s6 =	srdreg.scid  }
0x3: {  	s14 =	simm.s32 $0x3;
	s15 =	simm.s32 $0x100;
	s16 =	simm.s32 $0x80  }
0x4: {  	s17 =	simm.s32 $0x200;
	s18 =	simm.s32 $0x8200;
	s19 =	simm.s32 $0x10200  }
0x5: {  	s20 =	simm.s32 $0x10A00;
	s21 =	simm.s32 $0x4200;
	s22 =	simm.s32 $0x180  }
0x6: {  	s28 =	simm.s32 $0x2;
	s29 =	simm.s32 $0x0;
	[smem:$0x7FF] =	sst s2  }
0x7: {  	s3 =	sadd.s32 $0x1D000, s0;
	s4 =	sadd.s32 $0x44200, s0;
	s1 =	sshll.u32 s10, $0x6  }
0x8: {  	s5 =	sadd.s32 $0x1A800, s0;
	s6 =	sand.u32 $0x1, s6;
	s7 =	sshll.u32 s10, $0xD  }
0x9: {  	s8 =	sshll.u32 s10, $0x9;
	s24 =	sshll.u32 s10, $0x1;
	_ =	strace $0x80000047  }
0xa: {  	s1 =	sadd.s32 s1, s0;
	s9 =	ssub.s32 $0x2, s6;
	s7 =	sadd.s32 s7, s0  }
0xb: {  	s0 =	sadd.s32 s8, s0;
	[dreg:$0x2] =	wrdreg s24;
	s25 =	sshll.u32 s6, $0x5  }
0xc: {  	s26 =	sshll.u32 s6, $0xC;
	s30 =	sshll.u32 s6, $0x8;
	s24 =	simm.s32 $0x10600  }
0xd: {  	s23 =	sshrl.u32 s9, $0x1;
	s1 =	sadd.s32 s25, s1;
	s7 =	sadd.s32 s26, s7  }
.Ltmp0:
0xe: {  	s10 =	sadd.s32 s30, s0;
	s25 =	simm.s32 $0x10E00;
	(pc) =	sbr.rel .LBB2_1-.Ltmp0, $4  }
0xf: {  	s26 =	simm.s32 $0x1;
	s8 =	ssub.s32 s9, s23;
	s9 =	sadd.s32 $0x10A00, s1  }
0x10: {  	s31 =	sadd.s32 $0x5E9800, s7;
	s0 =	sadd.s32 $0x6B400, s10;
	s13 =	sadd.s32 $0xB9600, s10  }
0x11: {  	s23 =	simm.s32 $0xC200;
	s8 =	smax.u32 s8, $0x1;
	[dreg:$0x4] =	wrdreg s31  }
0x12: {  	[dreg:$0x3] =	wrdreg s8;
	s8 =	sadd.s32 $0x6C00, s1;
	s1 =	sadd.s32 $0x107800, s7  }
.LBB2_5:
0x13: {  	s29 =	sadd.s32 $0x1, s29;
	s6 =	rddreg [dreg:$0x3]  }
0x14: {  	p0 =	sne.s32 s29, s6  }
.Ltmp1:
0x15: {  	_ = 	snop;
	(pc) =	sbr.rel @!p0 .LBB2_6-.Ltmp1, $1  }
0x16: {  	_ =	sdelay $0x3  }
.LBB2_1:
.Ltmp2:
0x17: {  	(pc) =	sbr.rel .LBB2_2-.Ltmp2, $3  }
0x18: {  	_ =	sdelay $0x1  }
0x19: {  	s30 =	rddreg [dreg:$0x2];
	s31 =	smov.u32 s13;
	s12 =	smov.u32 s0  }
0x1a: {  	s11 =	smov.u32 s1;
	s10 =	rddreg [dreg:$0x4];
	s7 =	simm.s32 $0x0  }
.LBB2_4:
0x1b: {  	s7 =	sadd.s32 $0x400, s7  }
0x1c: {  	p0 =	sne.s32 s7, $0xA000  }
.Ltmp3:
0x1d: {  	_ = 	snop;
	(pc) =	sbr.rel @!p0 .LBB2_5-.Ltmp3, $3  }
0x1e: {  	_ =	sdelay $0x1  }
0x1f: {  	s10 =	sadd.s32 $0x20000, s10;
	s11 =	sadd.s32 $0x20000, s11  }
0x20: {  	s12 =	sadd.s32 $0x2000, s12;
	s31 =	sadd.s32 $0x2000, s31;
	s30 =	sadd.s32 $0x20, s30  }
.LBB2_2:
0x21: {  	p0 =	sgt.u32 s30, $0x4E1  }
.Ltmp4:
0x22: {  	_ = 	snop;
	(pc) =	sbr.rel @p0 .LBB2_4-.Ltmp4, $1  }
0x23: {  	_ =	sdelay $0x3  }
0x24: {  	s6 =	sadd.s32 s7, s9  }
0x25: {  	[tilespmem:s2], [sflag:$0x3] =	stream.linear.gather [hbm4b:s6+s2], $0x100, $0x38;
	[tilespmem:$0x11200] =	vst v63  }
0x26: {  	_ =	swait.ge [sflag:s14], $0x100  }
0x27: {  	[sflag:s14] =	ssyncset.done $0x0  }
0x28: {  	s6 =	sadd.s32 s7, s8;
	[sflag:s14] =	ssyncadd.s32 $0xFFFFFF00  }
0x29: {  	[tilespmem:s15], [sflag:$0x3] =	stream.linear.gather [hbm4b:s6+s2], $0x100, $0x38;
	[tilespmem:$0x11200] =	vst v63  }
0x2a: {  	_ =	swait.ge [sflag:s14], $0x100  }
0x2b: {  	[sflag:s14] =	ssyncset.done $0x0  }
0x2c: {  	[sflag:s14] =	ssyncadd.s32 $0xFFFFFF00  }
0x2d: {  	[tilespmem:s17], [sflag:$0x1] =	stream.indirect.gather [hbm4b:s3+s16], $0x80, s2, s16, $0xb8;
	[tilespmem:$0x11200] =	vst v63  }
0x2e: {  	_ = 	snop  }
0x2f: {  	[tilespmem:s18], [sflag:$0x1] =	stream.indirect.gather [hbm4b:s4+s16], $0x80, s15, s16, $0xb8;
	[tilespmem:$0x11200] =	vst v63  }
0x30: {  	_ = 	snop  }
0x31: {  	[tilespmem:s19], [sflag:$0x1] =	stream.indirect.gather [hbm4b:s5+s16], $0x8, s2, s16, $0xb8;
	[tilespmem:$0x11200] =	vst v63  }
0x32: {  	_ = 	snop  }
0x33: {  	[tilespmem:s20], [sflag:$0x1] =	stream.indirect.gather [hbm4b:s5+s16], $0x8, s15, s16, $0xb8;
	[tilespmem:$0x11200] =	vst v63  }
0x34: {  	_ = 	snop  }
0x35: {  	[tilespmem:s21], [sflag:$0x1] =	stream.indirect.gather [hbm4b:s3+s16], $0x80, s16, s16, $0xb8;
	[tilespmem:$0x11200] =	vst v63  }
0x36: {  	_ = 	snop  }
0x37: {  	[tilespmem:s23], [sflag:$0x1] =	stream.indirect.gather [hbm4b:s4+s16], $0x80, s22, s16, $0xb8;
	[tilespmem:$0x11200] =	vst v63  }
0x38: {  	_ = 	snop  }
0x39: {  	[tilespmem:s24], [sflag:$0x1] =	stream.indirect.gather [hbm4b:s5+s16], $0x8, s16, s16, $0xb8;
	[tilespmem:$0x11200] =	vst v63  }
0x3a: {  	_ = 	snop  }
0x3b: {  	[tilespmem:s25], [sflag:$0x1] =	stream.indirect.gather [hbm4b:s5+s16], $0x8, s22, s16, $0xb8;
	[tilespmem:$0x11200] =	vst v63  }
0x3c: {  	_ =	swait.ge [sflag:s26], $0x4000  }
0x3d: {  	[sflag:s26] =	ssyncset.done $0x0  }
0x3e: {  	[sflag:s26] =	ssyncadd.s32 $0xFFFFC000  }
0x3f: {  	_ =	swait.ge [sflag:s26], $0x4000  }
0x40: {  	[sflag:s26] =	ssyncset.done $0x0  }
0x41: {  	[sflag:s26] =	ssyncadd.s32 $0xFFFFC000  }
0x42: {  	_ =	swait.ge [sflag:s26], $0x400  }
0x43: {  	[sflag:s26] =	ssyncset.done $0x0  }
0x44: {  	[sflag:s26] =	ssyncadd.s32 $0xFFFFFC00  }
0x45: {  	_ =	swait.ge [sflag:s26], $0x400  }
0x46: {  	[sflag:s26] =	ssyncset.done $0x0  }
0x47: {  	[sflag:s26] =	ssyncadd.s32 $0xFFFFFC00  }
0x48: {  	_ =	swait.ge [sflag:s26], $0x4000  }
0x49: {  	[sflag:s26] =	ssyncset.done $0x0  }
0x4a: {  	[sflag:s26] =	ssyncadd.s32 $0xFFFFC000  }
0x4b: {  	_ =	swait.ge [sflag:s26], $0x4000  }
0x4c: {  	[sflag:s26] =	ssyncset.done $0x0  }
0x4d: {  	[sflag:s26] =	ssyncadd.s32 $0xFFFFC000  }
0x4e: {  	_ =	swait.ge [sflag:s26], $0x400  }
0x4f: {  	[sflag:s26] =	ssyncset.done $0x0  }
0x50: {  	[sflag:s26] =	ssyncadd.s32 $0xFFFFFC00  }
0x51: {  	_ =	swait.ge [sflag:s26], $0x400  }
0x52: {  	[sflag:s26] =	ssyncset.done $0x0  }
0x53: {  	[sflag:s26] =	ssyncadd.s32 $0xFFFFFC00  }
0x54: {  	[hbm4b:s11+s2] =	stream.linear.scatter [tilespmem:s17], [sflag:$0x2], $0x8000, $0x38;
	[tilespmem:$0x11200] =	vst v63  }
0x55: {  	_ = 	snop  }
0x56: {  	[hbm4b:s10+s2] =	stream.linear.scatter [tilespmem:s18], [sflag:$0x2], $0x8000, $0x38;
	[tilespmem:$0x11200] =	vst v63  }
0x57: {  	_ = 	snop  }
0x58: {  	[hbm4b:s31+s2] =	stream.linear.scatter [tilespmem:s19], [sflag:$0x2], $0x800, $0x38;
	[tilespmem:$0x11200] =	vst v63  }
0x59: {  	_ = 	snop  }
0x5a: {  	[hbm4b:s12+s2] =	stream.linear.scatter [tilespmem:s20], [sflag:$0x2], $0x800, $0x38;
	[tilespmem:$0x11200] =	vst v63  }
0x5b: {  	_ =	swait.ge [sflag:s28], $0x8000  }
0x5c: {  	[sflag:s28] =	ssyncset.done $0x0  }
0x5d: {  	[sflag:s28] =	ssyncadd.s32 $0xFFFF8000  }
0x5e: {  	_ =	swait.ge [sflag:s28], $0x8000  }
0x5f: {  	[sflag:s28] =	ssyncset.done $0x0  }
0x60: {  	[sflag:s28] =	ssyncadd.s32 $0xFFFF8000  }
0x61: {  	_ =	swait.ge [sflag:s28], $0x800  }
.Ltmp5:
0x62: {  	[sflag:s28] =	ssyncset.done $0x0;
	(pc) =	sbr.rel .LBB2_4-.Ltmp5, $4  }
0x63: {  	[sflag:s28] =	ssyncadd.s32 $0xFFFFF800  }
0x64: {  	_ =	swait.ge [sflag:s28], $0x800  }
0x65: {  	[sflag:s28] =	ssyncset.done $0x0  }
0x66: {  	[sflag:s28] =	ssyncadd.s32 $0xFFFFF800  }
.LBB2_6:
0x67: {  	_ =	sfence.sel $0x180000  }
0x68: {  	[bflag:$0x0] =	sbarrier.arrive $0xFFFF  }
0x69: {  	_ =	strace $0x90000047  }
0x6a: {  	s0 =	stileid.u32;
	[bflag:$0x2] =	sbarrier.arrive $0xFFFF  }
0x6b: {  	p0 =	sne.s32 s0, $0x0;
	s0 =	rddreg [dreg:$0x1]  }
0x6c: {  	s0 =	sadd.s32 @!p0 $0x100000, s0  }
0x6d: {  	[sflag:s0] =	ssyncadd.tile.s32 @!p0 $0x1;
	_ =	shalt  }
.Lfunc_end2:
_tile_overlayer_lowered:
.L_overlay_start_2:
0x6e: {  	(tag) =	ssettag $0x2  }
0x6f: {  	s0 =	rddreg [dreg:$0x0];
	s2 =	stileid.u32  }
0x70: {  	s1 =	rddreg [dreg:$0x1];
	p0 =	sne.s32 s2, $0x0  }
0x71: {  	s3 =	rddreg [dreg:$0x2];
	[bflag:$0x3] =	sbarrier.arrive $0xFFFF;
	s2 =	simm.s32 @!p0 $0x1C03  }
0x72: {  	[timem:s3], [sflag:s2] =	dma.local @!p0 [hbm:s0], s1  }
0x73: {  	s0 =	simm.s32 @!p0 $0x3  }
0x74: {  	_ =	swait.ge @!p0 [sflag:s0], s1  }
0x75: {  	s1 =	ssub.s32 @!p0 $0x0, s1;
	[sflag:s0] =	ssyncset.done @!p0 $0x0  }
0x76: {  	[sflag:s0] =	ssyncadd.s32 @!p0 s1  }
0x77: {  	[bflag:$0x3] =	sbarrier.arrive $0xFFFF  }
0x78: {  	_ =	shalt  }

</sc_bundles>
